<compile_context>
chip_gen: v7x
topology: tpu7x:2x2x1
jax: 0.10.2.dev20260603
libtpu: 0.0.44.dev20260713+nightly
codegen_flags: <defaults>
</compile_context>

<pallas_src>
import functools
import math

import jax
import jax.numpy as jnp
from jax import lax
from jax.experimental import pallas as pl
from jax.experimental.pallas import tpu as pltpu
from jax.experimental.pallas import tpu_sc as plsc

N_TOKEN = 100000
D_MODEL = 128
SCALE = math.sqrt(float(D_MODEL))

_info = plsc.get_sparse_core_info()
NC = _info.num_cores
NS = _info.num_subcores
NW = NC * NS

B_TOTAL = 4096 * 200
B_PER_W = B_TOTAL // NW
CH = 128
N_CH = B_PER_W // CH
NBUF = 5


@functools.partial(
    pl.kernel,
    out_type=jax.ShapeDtypeStruct((B_TOTAL, D_MODEL), jnp.float32),
    mesh=plsc.VectorSubcoreMesh(core_axis_name="c", subcore_axis_name="s"),
    scratch_types=[
        pltpu.VMEM((N_CH, CH), jnp.int32),
        pltpu.VMEM((CH, D_MODEL), jnp.float32),
        pltpu.VMEM((CH, D_MODEL), jnp.float32),
        pltpu.VMEM((CH, D_MODEL), jnp.float32),
        pltpu.VMEM((CH, D_MODEL), jnp.float32),
        pltpu.VMEM((CH, D_MODEL), jnp.float32),
        pltpu.SemaphoreType.DMA,
        pltpu.SemaphoreType.DMA,
        pltpu.SemaphoreType.DMA,
        pltpu.SemaphoreType.DMA,
        pltpu.SemaphoreType.DMA,
        pltpu.SemaphoreType.DMA,
        pltpu.SemaphoreType.DMA,
        pltpu.SemaphoreType.DMA,
        pltpu.SemaphoreType.DMA,
        pltpu.SemaphoreType.DMA,
    ],
)
def _emb_kernel(x_hbm, table_hbm, out_hbm, idx_v, r0, r1, r2, r3, r4,
                g0, g1, g2, g3, g4, s0, s1, s2, s3, s4):
    wid = lax.axis_index("s") * NC + lax.axis_index("c")
    base = wid * B_PER_W
    bufs = (r0, r1, r2, r3, r4)
    gsems = (g0, g1, g2, g3, g4)
    ssems = (s0, s1, s2, s3, s4)

    pltpu.sync_copy(x_hbm.at[wid], idx_v)

    for b in range(3):
        pltpu.make_async_copy(
            table_hbm.at[idx_v.at[b]], bufs[b], gsems[b]).start()

    def outer(gi, carry):
        for b in range(NBUF):
            j = gi * NBUF + b
            buf = bufs[b]

            pltpu.make_async_copy(
                table_hbm.at[idx_v.at[j]], buf, gsems[b]).wait()

            @plsc.parallel_loop(0, CH, 1, unroll=4)
            def _(r):
                for p in range(D_MODEL // 16):
                    sl = pl.ds(p * 16, 16)
                    buf[r, sl] = buf[r, sl] * SCALE

            pltpu.make_async_copy(
                buf, out_hbm.at[pl.ds(base + j * CH, CH)], ssems[b]).start()

            b2 = (b - 2) % NBUF
            buf2 = bufs[b2]

            @pl.when(j >= 2)
            def _():
                pltpu.make_async_copy(
                    buf2, out_hbm.at[pl.ds(base + (j - 2) * CH, CH)],
                    ssems[b2]).wait()

            @pl.when(j + 3 < N_CH)
            def _():
                pltpu.make_async_copy(
                    table_hbm.at[idx_v.at[j + 3]], buf2, gsems[b2]).start()
        return carry

    lax.fori_loop(0, N_CH // NBUF, outer, 0)

    for j in (N_CH - 2, N_CH - 1):
        b = j % NBUF
        pltpu.make_async_copy(
            bufs[b], out_hbm.at[pl.ds(base + j * CH, CH)], ssems[b]).wait()


def kernel(x, emb_weight):
    x_flat = x.reshape(NW, N_CH, CH).astype(jnp.int32)
    out = _emb_kernel(x_flat, emb_weight)
    return out.reshape(x.shape[0], x.shape[1], D_MODEL)

# --- scband reference (transcript-rebuilt; emitter-appended) ---
"""Pipeline reference for scband-cpembedding-27479200760068 (READ-ONLY COPY).

The authoritative reference and input builder live on the scoring server;
editing this copy changes nothing except your own understanding.
"""

import jax, jax.numpy as jnp
import numpy as np
import math

N_TOKEN = 100000
D_MODEL = 128

def setup_inputs(seed: int = 0) -> dict:
    key = jax.random.key(seed)
    k1, k2 = jax.random.split(key)
    x = jax.random.randint(k1, (4096, 200), 0, N_TOKEN, dtype=jnp.int64 if jax.config.jax_enable_x64 else jnp.int32)
    emb_weight = jax.random.normal(k2, (N_TOKEN, D_MODEL), dtype=jnp.float32)
    return {"x": x, "emb_weight": emb_weight}

def reference(x, emb_weight):
    # nn.Embedding lookup followed by scaling with sqrt(d_model)
    out = jnp.take(emb_weight, x, axis=0)
    return out * math.sqrt(D_MODEL)

if __name__ == "__main__":
    import jax
    _d = setup_inputs()
    print(jax.jit(kernel)(*tuple(_d.values())))

</pallas_src>

<mosaic_0001>
#map = affine_map<(d0, d1) -> (0, 0, 0)>
#map1 = affine_map<(d0, d1) -> (0, 0)>
module attributes {stable_mosaic.version = 14 : i64} {
  func.func @_emb_kernel(%arg0: i32, %arg1: i32, %arg2: memref<32x200x128xi32, #tpu.memory_space<hbm>>, %arg3: memref<100000x128xf32, #tpu.memory_space<hbm>>, %arg4: memref<819200x128xf32, #tpu.memory_space<hbm>>, %arg5: memref<200x128xi32, #tpu.memory_space<vmem>>, %arg6: memref<128x128xf32, #tpu.memory_space<vmem>>, %arg7: memref<128x128xf32, #tpu.memory_space<vmem>>, %arg8: memref<128x128xf32, #tpu.memory_space<vmem>>, %arg9: memref<128x128xf32, #tpu.memory_space<vmem>>, %arg10: memref<128x128xf32, #tpu.memory_space<vmem>>, %arg11: memref<!tpu.dma_semaphore, #tpu.memory_space<semaphore_mem>>, %arg12: memref<!tpu.dma_semaphore, #tpu.memory_space<semaphore_mem>>, %arg13: memref<!tpu.dma_semaphore, #tpu.memory_space<semaphore_mem>>, %arg14: memref<!tpu.dma_semaphore, #tpu.memory_space<semaphore_mem>>, %arg15: memref<!tpu.dma_semaphore, #tpu.memory_space<semaphore_mem>>, %arg16: memref<!tpu.dma_semaphore, #tpu.memory_space<semaphore_mem>>, %arg17: memref<!tpu.dma_semaphore, #tpu.memory_space<semaphore_mem>>, %arg18: memref<!tpu.dma_semaphore, #tpu.memory_space<semaphore_mem>>, %arg19: memref<!tpu.dma_semaphore, #tpu.memory_space<semaphore_mem>>, %arg20: memref<!tpu.dma_semaphore, #tpu.memory_space<semaphore_mem>>) attributes {dimension_semantics = [#tpu.dimension_semantics<core_parallel>, #tpu.dimension_semantics<subcore_parallel>], iteration_bounds = array<i64: 2, 16>, scalar_prefetch = 0 : i64, scratch_operands = 16 : i64, tpu.core_type = #tpu.core_type<sc_vector_subcore>, window_params = [{transform_indices = #map}, {transform_indices = #map1}, {transform_indices = #map1}]} {
    %mul3A = arith.constant 2 : i32
    %mul3A_0 = arith.muli %arg1, %mul3A : i32
    %add3A = arith.addi %mul3A_0, %arg0 : i32
    %mul3A_1 = arith.constant 25600 : i32
    %mul3A_2 = arith.muli %add3A, %mul3A_1 : i32
    "tpu.region"() ({
      %run_scoped3A = tpu.sem_alloc : memref<!tpu.dma_semaphore, #tpu.memory_space<semaphore_mem>>
      %dma_start3A_39 = arith.constant 0 : i32
      %dma_start3A_40 = arith.constant 0 : i32
      %dma_start3A_41 = tpu.memref_slice %arg2[%add3A, %dma_start3A_39, %dma_start3A_40] : memref<32x200x128xi32, #tpu.memory_space<hbm>> -> memref<1x200x128xi32, #tpu.memory_space<hbm>>
      %dma_start3A_42 = tpu.memref_squeeze %dma_start3A_41 : memref<1x200x128xi32, #tpu.memory_space<hbm>> -> memref<200x128xi32, #tpu.memory_space<hbm>>
      %dma_start3A_43 = arith.constant 0 : i32
      %dma_start3A_44 = arith.constant 0 : i32
      %dma_start3A_45 = tpu.memref_slice %arg2[%add3A, %dma_start3A_43, %dma_start3A_44] : memref<32x200x128xi32, #tpu.memory_space<hbm>> -> memref<1x200x128xi32, #tpu.memory_space<hbm>>
      %dma_start3A_46 = tpu.memref_squeeze %dma_start3A_45 : memref<1x200x128xi32, #tpu.memory_space<hbm>> -> memref<200x128xi32, #tpu.memory_space<hbm>>
      tpu.enqueue_dma source(%dma_start3A_46 : memref<200x128xi32, #tpu.memory_space<hbm>>) target(%arg5 : memref<200x128xi32, #tpu.memory_space<vmem>>) target_semaphore(%run_scoped3A : memref<!tpu.dma_semaphore, #tpu.memory_space<semaphore_mem>>)
      %dma_wait3A_47 = arith.constant 0 : i32
      %dma_wait3A_48 = arith.constant 0 : i32
      %dma_wait3A_49 = tpu.memref_slice %arg2[%add3A, %dma_wait3A_47, %dma_wait3A_48] : memref<32x200x128xi32, #tpu.memory_space<hbm>> -> memref<1x200x128xi32, #tpu.memory_space<hbm>>
      %dma_wait3A_50 = tpu.memref_squeeze %dma_wait3A_49 : memref<1x200x128xi32, #tpu.memory_space<hbm>> -> memref<200x128xi32, #tpu.memory_space<hbm>>
      %dma_wait3A_51 = arith.constant 0 : i32
      %dma_wait3A_52 = arith.constant 0 : i32
      %dma_wait3A_53 = tpu.memref_slice %arg2[%add3A, %dma_wait3A_51, %dma_wait3A_52] : memref<32x200x128xi32, #tpu.memory_space<hbm>> -> memref<1x200x128xi32, #tpu.memory_space<hbm>>
      %dma_wait3A_54 = tpu.memref_squeeze %dma_wait3A_53 : memref<1x200x128xi32, #tpu.memory_space<hbm>> -> memref<200x128xi32, #tpu.memory_space<hbm>>
      tpu.wait_dma2 semaphore(%run_scoped3A : memref<!tpu.dma_semaphore, #tpu.memory_space<semaphore_mem>>) src(%dma_wait3A_54 : memref<200x128xi32, #tpu.memory_space<hbm>>) dst(%arg5 : memref<200x128xi32, #tpu.memory_space<vmem>>)
      tpu.yield
    }) : () -> ()
    %dma_start3A = arith.constant 0 : i32
    %dma_start3A_3 = arith.constant 0 : i32
    %dma_start3A_4 = tpu.memref_slice %arg5[%dma_start3A, %dma_start3A_3] : memref<200x128xi32, #tpu.memory_space<vmem>> -> memref<1x128xi32, #tpu.memory_space<vmem>>
    %dma_start3A_5 = tpu.memref_squeeze %dma_start3A_4 : memref<1x128xi32, #tpu.memory_space<vmem>> -> memref<128xi32, #tpu.memory_space<vmem>>
    %dma_start3A_6 = arith.constant 0 : i32
    %dma_start3A_7 = arith.constant 0 : i32
    %dma_start3A_8 = tpu.memref_slice %arg3[%dma_start3A_6, %dma_start3A_7] : memref<100000x128xf32, #tpu.memory_space<hbm>> -> memref<100000x128xf32, #tpu.memory_space<hbm>>
    tpu.enqueue_indirect_dma source(%dma_start3A_8 : memref<100000x128xf32, #tpu.memory_space<hbm>>) target(%arg6 : memref<128x128xf32, #tpu.memory_space<vmem>>) offsets(%dma_start3A_5 : memref<128xi32, #tpu.memory_space<vmem>>) semaphore(%arg11 : memref<!tpu.dma_semaphore, #tpu.memory_space<semaphore_mem>>)
    %dma_start3A_9 = arith.constant 1 : i32
    %dma_start3A_10 = arith.constant 0 : i32
    %dma_start3A_11 = tpu.memref_slice %arg5[%dma_start3A_9, %dma_start3A_10] : memref<200x128xi32, #tpu.memory_space<vmem>> -> memref<1x128xi32, #tpu.memory_space<vmem>>
    %dma_start3A_12 = tpu.memref_squeeze %dma_start3A_11 : memref<1x128xi32, #tpu.memory_space<vmem>> -> memref<128xi32, #tpu.memory_space<vmem>>
    %dma_start3A_13 = arith.constant 0 : i32
    %dma_start3A_14 = arith.constant 0 : i32
    %dma_start3A_15 = tpu.memref_slice %arg3[%dma_start3A_13, %dma_start3A_14] : memref<100000x128xf32, #tpu.memory_space<hbm>> -> memref<100000x128xf32, #tpu.memory_space<hbm>>
    tpu.enqueue_indirect_dma source(%dma_start3A_15 : memref<100000x128xf32, #tpu.memory_space<hbm>>) target(%arg7 : memref<128x128xf32, #tpu.memory_space<vmem>>) offsets(%dma_start3A_12 : memref<128xi32, #tpu.memory_space<vmem>>) semaphore(%arg12 : memref<!tpu.dma_semaphore, #tpu.memory_space<semaphore_mem>>)
    %dma_start3A_16 = arith.constant 2 : i32
    %dma_start3A_17 = arith.constant 0 : i32
    %dma_start3A_18 = tpu.memref_slice %arg5[%dma_start3A_16, %dma_start3A_17] : memref<200x128xi32, #tpu.memory_space<vmem>> -> memref<1x128xi32, #tpu.memory_space<vmem>>
    %dma_start3A_19 = tpu.memref_squeeze %dma_start3A_18 : memref<1x128xi32, #tpu.memory_space<vmem>> -> memref<128xi32, #tpu.memory_space<vmem>>
    %dma_start3A_20 = arith.constant 0 : i32
    %dma_start3A_21 = arith.constant 0 : i32
    %dma_start3A_22 = tpu.memref_slice %arg3[%dma_start3A_20, %dma_start3A_21] : memref<100000x128xf32, #tpu.memory_space<hbm>> -> memref<100000x128xf32, #tpu.memory_space<hbm>>
    tpu.enqueue_indirect_dma source(%dma_start3A_22 : memref<100000x128xf32, #tpu.memory_space<hbm>>) target(%arg8 : memref<128x128xf32, #tpu.memory_space<vmem>>) offsets(%dma_start3A_19 : memref<128xi32, #tpu.memory_space<vmem>>) semaphore(%arg13 : memref<!tpu.dma_semaphore, #tpu.memory_space<semaphore_mem>>)
    %scan3A = arith.constant 0 : i32
    %scan3A_23 = arith.constant 0 : i32
    %scan3A_24 = arith.constant 40 : i32
    %scan3A_25 = arith.addi %scan3A_23, %scan3A_24 : i32
    %scan3A_26 = arith.constant 1 : i32
    scf.for %scan3A_39 = %scan3A_23 to %scan3A_25 step %scan3A_26  : i32 {
      %mul3A_40 = arith.constant 5 : i32
      %mul3A_41 = arith.muli %scan3A_39, %mul3A_40 : i32
      %add3A_42 = arith.constant 0 : i32
      %add3A_43 = arith.addi %mul3A_41, %add3A_42 : i32
      %dma_wait3A_44 = arith.constant 0 : i32
      %dma_wait3A_45 = tpu.memref_slice %arg5[%add3A_43, %dma_wait3A_44] : memref<200x128xi32, #tpu.memory_space<vmem>> -> memref<1x128xi32, #tpu.memory_space<vmem>>
      %dma_wait3A_46 = tpu.memref_squeeze %dma_wait3A_45 : memref<1x128xi32, #tpu.memory_space<vmem>> -> memref<128xi32, #tpu.memory_space<vmem>>
      %dma_wait3A_47 = arith.constant 0 : i32
      %dma_wait3A_48 = arith.constant 0 : i32
      %dma_wait3A_49 = tpu.memref_slice %arg3[%dma_wait3A_47, %dma_wait3A_48] : memref<100000x128xf32, #tpu.memory_space<hbm>> -> memref<100000x128xf32, #tpu.memory_space<hbm>>
      tpu.wait_indirect_dma semaphore(%arg11 : memref<!tpu.dma_semaphore, #tpu.memory_space<semaphore_mem>>) src(%dma_wait3A_49 : memref<100000x128xf32, #tpu.memory_space<hbm>>) dst(%arg6 : memref<128x128xf32, #tpu.memory_space<vmem>>)
      %parallel_loop3A = arith.constant 0 : i32
      %parallel_loop3A_50 = arith.constant 128 : i32
      %parallel_loop3A_51 = arith.constant 1 : i32
      scf.for %parallel_loop3A_195 = %parallel_loop3A to %parallel_loop3A_50 step %parallel_loop3A_51  : i32 {
        %parallel_loop3A_196 = arith.index_cast %parallel_loop3A_195 : i32 to index
        %parallel_loop3A_197 = arith.constant 0 : index
        %parallel_loop3A_198 = tpu.vector_load %arg6[%parallel_loop3A_196, %parallel_loop3A_197] {strides = array<i32>} : memref<128x128xf32, #tpu.memory_space<vmem>>, vector<1x16xf32>,
        %parallel_loop3A_199 = vector.shape_cast %parallel_loop3A_198 : vector<1x16xf32> to vector<16xf32>
        %parallel_loop3A_200 = arith.constant 11.3137083 : f32
        %parallel_loop3A_201 = vector.broadcast %parallel_loop3A_200 : f32 to vector<16xf32>
        %parallel_loop3A_202 = arith.mulf %parallel_loop3A_199, %parallel_loop3A_201 : vector<16xf32>
        %parallel_loop3A_203 = arith.index_cast %parallel_loop3A_195 : i32 to index
        %parallel_loop3A_204 = arith.constant 0 : index
        %parallel_loop3A_205 = tpu.vector_load %arg6[%parallel_loop3A_203, %parallel_loop3A_204] {strides = array<i32>} : memref<128x128xf32, #tpu.memory_space<vmem>>, vector<1x16xf32>,
        %parallel_loop3A_206 = vector.shape_cast %parallel_loop3A_205 : vector<1x16xf32> to vector<16xf32>
        %parallel_loop3A_207 = vector.shape_cast %parallel_loop3A_202 : vector<16xf32> to vector<1x16xf32>
        tpu.vector_store %arg6[%parallel_loop3A_203, %parallel_loop3A_204], %parallel_loop3A_207 {strides = array<i32>} : memref<128x128xf32, #tpu.memory_space<vmem>>, vector<1x16xf32>,
        %parallel_loop3A_208 = arith.index_cast %parallel_loop3A_195 : i32 to index
        %parallel_loop3A_209 = arith.constant 16 : index
        %parallel_loop3A_210 = tpu.vector_load %arg6[%parallel_loop3A_208, %parallel_loop3A_209] {strides = array<i32>} : memref<128x128xf32, #tpu.memory_space<vmem>>, vector<1x16xf32>,
        %parallel_loop3A_211 = vector.shape_cast %parallel_loop3A_210 : vector<1x16xf32> to vector<16xf32>
        %parallel_loop3A_212 = arith.constant 11.3137083 : f32
        %parallel_loop3A_213 = vector.broadcast %parallel_loop3A_212 : f32 to vector<16xf32>
        %parallel_loop3A_214 = arith.mulf %parallel_loop3A_211, %parallel_loop3A_213 : vector<16xf32>
        %parallel_loop3A_215 = arith.index_cast %parallel_loop3A_195 : i32 to index
        %parallel_loop3A_216 = arith.constant 16 : index
        %parallel_loop3A_217 = tpu.vector_load %arg6[%parallel_loop3A_215, %parallel_loop3A_216] {strides = array<i32>} : memref<128x128xf32, #tpu.memory_space<vmem>>, vector<1x16xf32>,
        %parallel_loop3A_218 = vector.shape_cast %parallel_loop3A_217 : vector<1x16xf32> to vector<16xf32>
        %parallel_loop3A_219 = vector.shape_cast %parallel_loop3A_214 : vector<16xf32> to vector<1x16xf32>
        tpu.vector_store %arg6[%parallel_loop3A_215, %parallel_loop3A_216], %parallel_loop3A_219 {strides = array<i32>} : memref<128x128xf32, #tpu.memory_space<vmem>>, vector<1x16xf32>,
        %parallel_loop3A_220 = arith.index_cast %parallel_loop3A_195 : i32 to index
        %parallel_loop3A_221 = arith.constant 32 : index
        %parallel_loop3A_222 = tpu.vector_load %arg6[%parallel_loop3A_220, %parallel_loop3A_221] {strides = array<i32>} : memref<128x128xf32, #tpu.memory_space<vmem>>, vector<1x16xf32>,
        %parallel_loop3A_223 = vector.shape_cast %parallel_loop3A_222 : vector<1x16xf32> to vector<16xf32>
        %parallel_loop3A_224 = arith.constant 11.3137083 : f32
        %parallel_loop3A_225 = vector.broadcast %parallel_loop3A_224 : f32 to vector<16xf32>
        %parallel_loop3A_226 = arith.mulf %parallel_loop3A_223, %parallel_loop3A_225 : vector<16xf32>
        %parallel_loop3A_227 = arith.index_cast %parallel_loop3A_195 : i32 to index
        %parallel_loop3A_228 = arith.constant 32 : index
        %parallel_loop3A_229 = tpu.vector_load %arg6[%parallel_loop3A_227, %parallel_loop3A_228] {strides = array<i32>} : memref<128x128xf32, #tpu.memory_space<vmem>>, vector<1x16xf32>,
        %parallel_loop3A_230 = vector.shape_cast %parallel_loop3A_229 : vector<1x16xf32> to vector<16xf32>
        %parallel_loop3A_231 = vector.shape_cast %parallel_loop3A_226 : vector<16xf32> to vector<1x16xf32>
        tpu.vector_store %arg6[%parallel_loop3A_227, %parallel_loop3A_228], %parallel_loop3A_231 {strides = array<i32>} : memref<128x128xf32, #tpu.memory_space<vmem>>, vector<1x16xf32>,
        %parallel_loop3A_232 = arith.index_cast %parallel_loop3A_195 : i32 to index
        %parallel_loop3A_233 = arith.constant 48 : index
        %parallel_loop3A_234 = tpu.vector_load %arg6[%parallel_loop3A_232, %parallel_loop3A_233] {strides = array<i32>} : memref<128x128xf32, #tpu.memory_space<vmem>>, vector<1x16xf32>,
        %parallel_loop3A_235 = vector.shape_cast %parallel_loop3A_234 : vector<1x16xf32> to vector<16xf32>
        %parallel_loop3A_236 = arith.constant 11.3137083 : f32
        %parallel_loop3A_237 = vector.broadcast %parallel_loop3A_236 : f32 to vector<16xf32>
        %parallel_loop3A_238 = arith.mulf %parallel_loop3A_235, %parallel_loop3A_237 : vector<16xf32>
        %parallel_loop3A_239 = arith.index_cast %parallel_loop3A_195 : i32 to index
        %parallel_loop3A_240 = arith.constant 48 : index
        %parallel_loop3A_241 = tpu.vector_load %arg6[%parallel_loop3A_239, %parallel_loop3A_240] {strides = array<i32>} : memref<128x128xf32, #tpu.memory_space<vmem>>, vector<1x16xf32>,
        %parallel_loop3A_242 = vector.shape_cast %parallel_loop3A_241 : vector<1x16xf32> to vector<16xf32>
        %parallel_loop3A_243 = vector.shape_cast %parallel_loop3A_238 : vector<16xf32> to vector<1x16xf32>
        tpu.vector_store %arg6[%parallel_loop3A_239, %parallel_loop3A_240], %parallel_loop3A_243 {strides = array<i32>} : memref<128x128xf32, #tpu.memory_space<vmem>>, vector<1x16xf32>,
        %parallel_loop3A_244 = arith.index_cast %parallel_loop3A_195 : i32 to index
        %parallel_loop3A_245 = arith.constant 64 : index
        %parallel_loop3A_246 = tpu.vector_load %arg6[%parallel_loop3A_244, %parallel_loop3A_245] {strides = array<i32>} : memref<128x128xf32, #tpu.memory_space<vmem>>, vector<1x16xf32>,
        %parallel_loop3A_247 = vector.shape_cast %parallel_loop3A_246 : vector<1x16xf32> to vector<16xf32>
        %parallel_loop3A_248 = arith.constant 11.3137083 : f32
        %parallel_loop3A_249 = vector.broadcast %parallel_loop3A_248 : f32 to vector<16xf32>
        %parallel_loop3A_250 = arith.mulf %parallel_loop3A_247, %parallel_loop3A_249 : vector<16xf32>
        %parallel_loop3A_251 = arith.index_cast %parallel_loop3A_195 : i32 to index
        %parallel_loop3A_252 = arith.constant 64 : index
        %parallel_loop3A_253 = tpu.vector_load %arg6[%parallel_loop3A_251, %parallel_loop3A_252] {strides = array<i32>} : memref<128x128xf32, #tpu.memory_space<vmem>>, vector<1x16xf32>,
        %parallel_loop3A_254 = vector.shape_cast %parallel_loop3A_253 : vector<1x16xf32> to vector<16xf32>
        %parallel_loop3A_255 = vector.shape_cast %parallel_loop3A_250 : vector<16xf32> to vector<1x16xf32>
        tpu.vector_store %arg6[%parallel_loop3A_251, %parallel_loop3A_252], %parallel_loop3A_255 {strides = array<i32>} : memref<128x128xf32, #tpu.memory_space<vmem>>, vector<1x16xf32>,
        %parallel_loop3A_256 = arith.index_cast %parallel_loop3A_195 : i32 to index
        %parallel_loop3A_257 = arith.constant 80 : index
        %parallel_loop3A_258 = tpu.vector_load %arg6[%parallel_loop3A_256, %parallel_loop3A_257] {strides = array<i32>} : memref<128x128xf32, #tpu.memory_space<vmem>>, vector<1x16xf32>,
        %parallel_loop3A_259 = vector.shape_cast %parallel_loop3A_258 : vector<1x16xf32> to vector<16xf32>
        %parallel_loop3A_260 = arith.constant 11.3137083 : f32
        %parallel_loop3A_261 = vector.broadcast %parallel_loop3A_260 : f32 to vector<16xf32>
        %parallel_loop3A_262 = arith.mulf %parallel_loop3A_259, %parallel_loop3A_261 : vector<16xf32>
        %parallel_loop3A_263 = arith.index_cast %parallel_loop3A_195 : i32 to index
        %parallel_loop3A_264 = arith.constant 80 : index
        %parallel_loop3A_265 = tpu.vector_load %arg6[%parallel_loop3A_263, %parallel_loop3A_264] {strides = array<i32>} : memref<128x128xf32, #tpu.memory_space<vmem>>, vector<1x16xf32>,
        %parallel_loop3A_266 = vector.shape_cast %parallel_loop3A_265 : vector<1x16xf32> to vector<16xf32>
        %parallel_loop3A_267 = vector.shape_cast %parallel_loop3A_262 : vector<16xf32> to vector<1x16xf32>
        tpu.vector_store %arg6[%parallel_loop3A_263, %parallel_loop3A_264], %parallel_loop3A_267 {strides = array<i32>} : memref<128x128xf32, #tpu.memory_space<vmem>>, vector<1x16xf32>,
        %parallel_loop3A_268 = arith.index_cast %parallel_loop3A_195 : i32 to index
        %parallel_loop3A_269 = arith.constant 96 : index
        %parallel_loop3A_270 = tpu.vector_load %arg6[%parallel_loop3A_268, %parallel_loop3A_269] {strides = array<i32>} : memref<128x128xf32, #tpu.memory_space<vmem>>, vector<1x16xf32>,
        %parallel_loop3A_271 = vector.shape_cast %parallel_loop3A_270 : vector<1x16xf32> to vector<16xf32>
        %parallel_loop3A_272 = arith.constant 11.3137083 : f32
        %parallel_loop3A_273 = vector.broadcast %parallel_loop3A_272 : f32 to vector<16xf32>
        %parallel_loop3A_274 = arith.mulf %parallel_loop3A_271, %parallel_loop3A_273 : vector<16xf32>
        %parallel_loop3A_275 = arith.index_cast %parallel_loop3A_195 : i32 to index
        %parallel_loop3A_276 = arith.constant 96 : index
        %parallel_loop3A_277 = tpu.vector_load %arg6[%parallel_loop3A_275, %parallel_loop3A_276] {strides = array<i32>} : memref<128x128xf32, #tpu.memory_space<vmem>>, vector<1x16xf32>,
        %parallel_loop3A_278 = vector.shape_cast %parallel_loop3A_277 : vector<1x16xf32> to vector<16xf32>
        %parallel_loop3A_279 = vector.shape_cast %parallel_loop3A_274 : vector<16xf32> to vector<1x16xf32>
        tpu.vector_store %arg6[%parallel_loop3A_275, %parallel_loop3A_276], %parallel_loop3A_279 {strides = array<i32>} : memref<128x128xf32, #tpu.memory_space<vmem>>, vector<1x16xf32>,
        %parallel_loop3A_280 = arith.index_cast %parallel_loop3A_195 : i32 to index
        %parallel_loop3A_281 = arith.constant 112 : index
        %parallel_loop3A_282 = tpu.vector_load %arg6[%parallel_loop3A_280, %parallel_loop3A_281] {strides = array<i32>} : memref<128x128xf32, #tpu.memory_space<vmem>>, vector<1x16xf32>,
        %parallel_loop3A_283 = vector.shape_cast %parallel_loop3A_282 : vector<1x16xf32> to vector<16xf32>
        %parallel_loop3A_284 = arith.constant 11.3137083 : f32
        %parallel_loop3A_285 = vector.broadcast %parallel_loop3A_284 : f32 to vector<16xf32>
        %parallel_loop3A_286 = arith.mulf %parallel_loop3A_283, %parallel_loop3A_285 : vector<16xf32>
        %parallel_loop3A_287 = arith.index_cast %parallel_loop3A_195 : i32 to index
        %parallel_loop3A_288 = arith.constant 112 : index
        %parallel_loop3A_289 = tpu.vector_load %arg6[%parallel_loop3A_287, %parallel_loop3A_288] {strides = array<i32>} : memref<128x128xf32, #tpu.memory_space<vmem>>, vector<1x16xf32>,
        %parallel_loop3A_290 = vector.shape_cast %parallel_loop3A_289 : vector<1x16xf32> to vector<16xf32>
        %parallel_loop3A_291 = vector.shape_cast %parallel_loop3A_286 : vector<16xf32> to vector<1x16xf32>
        tpu.vector_store %arg6[%parallel_loop3A_287, %parallel_loop3A_288], %parallel_loop3A_291 {strides = array<i32>} : memref<128x128xf32, #tpu.memory_space<vmem>>, vector<1x16xf32>,
      } {sc.loop_unroll_factor = 4 : i64, sc.parallel_access}
      %mul3A_52 = arith.constant 128 : i32
      %mul3A_53 = arith.muli %add3A_43, %mul3A_52 : i32
      %add3A_54 = arith.addi %mul3A_2, %mul3A_53 : i32
      %dma_start3A_55 = arith.constant 0 : i32
      %dma_start3A_56 = tpu.memref_slice %arg4[%add3A_54, %dma_start3A_55] : memref<819200x128xf32, #tpu.memory_space<hbm>> -> memref<128x128xf32, #tpu.memory_space<hbm>>
      %dma_start3A_57 = arith.constant 0 : i32
      %dma_start3A_58 = tpu.memref_slice %arg4[%add3A_54, %dma_start3A_57] : memref<819200x128xf32, #tpu.memory_space<hbm>> -> memref<128x128xf32, #tpu.memory_space<hbm>>
      tpu.enqueue_dma source(%arg6 : memref<128x128xf32, #tpu.memory_space<vmem>>) target(%dma_start3A_58 : memref<128x128xf32, #tpu.memory_space<hbm>>) target_semaphore(%arg16 : memref<!tpu.dma_semaphore, #tpu.memory_space<semaphore_mem>>)
      %ge3A = arith.constant 2 : i32
      %ge3A_59 = arith.cmpi sge, %add3A_43, %ge3A : i32
      %convert_element_type3A = arith.extui %ge3A_59 : i1 to i32
      %cond3A = arith.constant 0 : i32
      %cond3A_60 = arith.cmpi ne, %convert_element_type3A, %cond3A : i32
      scf.if %cond3A_60 {
        %sub3A = arith.constant 2 : i32
        %sub3A_195 = arith.subi %add3A_43, %sub3A : i32
        %mul3A_196 = arith.constant 128 : i32
        %mul3A_197 = arith.muli %sub3A_195, %mul3A_196 : i32
        %add3A_198 = arith.addi %mul3A_2, %mul3A_197 : i32
        %dma_wait3A_199 = arith.constant 0 : i32
        %dma_wait3A_200 = tpu.memref_slice %arg4[%add3A_198, %dma_wait3A_199] : memref<819200x128xf32, #tpu.memory_space<hbm>> -> memref<128x128xf32, #tpu.memory_space<hbm>>
        %dma_wait3A_201 = arith.constant 0 : i32
        %dma_wait3A_202 = tpu.memref_slice %arg4[%add3A_198, %dma_wait3A_201] : memref<819200x128xf32, #tpu.memory_space<hbm>> -> memref<128x128xf32, #tpu.memory_space<hbm>>
        tpu.wait_dma2 semaphore(%arg19 : memref<!tpu.dma_semaphore, #tpu.memory_space<semaphore_mem>>) src(%arg9 : memref<128x128xf32, #tpu.memory_space<vmem>>) dst(%dma_wait3A_202 : memref<128x128xf32, #tpu.memory_space<hbm>>)
      } else {
      }
      %add3A_61 = arith.constant 3 : i32
      %add3A_62 = arith.addi %add3A_43, %add3A_61 : i32
      %lt3A = arith.constant 200 : i32
      %lt3A_63 = arith.cmpi slt, %add3A_62, %lt3A : i32
      %convert_element_type3A_64 = arith.extui %lt3A_63 : i1 to i32
      %cond3A_65 = arith.constant 0 : i32
      %cond3A_66 = arith.cmpi ne, %convert_element_type3A_64, %cond3A_65 : i32
      scf.if %cond3A_66 {
        %add3A_195 = arith.constant 3 : i32
        %add3A_196 = arith.addi %add3A_43, %add3A_195 : i32
        %dma_start3A_197 = arith.constant 0 : i32
        %dma_start3A_198 = tpu.memref_slice %arg5[%add3A_196, %dma_start3A_197] : memref<200x128xi32, #tpu.memory_space<vmem>> -> memref<1x128xi32, #tpu.memory_space<vmem>>
        %dma_start3A_199 = tpu.memref_squeeze %dma_start3A_198 : memref<1x128xi32, #tpu.memory_space<vmem>> -> memref<128xi32, #tpu.memory_space<vmem>>
        %dma_start3A_200 = arith.constant 0 : i32
        %dma_start3A_201 = arith.constant 0 : i32
        %dma_start3A_202 = tpu.memref_slice %arg3[%dma_start3A_200, %dma_start3A_201] : memref<100000x128xf32, #tpu.memory_space<hbm>> -> memref<100000x128xf32, #tpu.memory_space<hbm>>
        tpu.enqueue_indirect_dma source(%dma_start3A_202 : memref<100000x128xf32, #tpu.memory_space<hbm>>) target(%arg9 : memref<128x128xf32, #tpu.memory_space<vmem>>) offsets(%dma_start3A_199 : memref<128xi32, #tpu.memory_space<vmem>>) semaphore(%arg14 : memref<!tpu.dma_semaphore, #tpu.memory_space<semaphore_mem>>)
      } else {
      }
      %mul3A_67 = arith.constant 5 : i32
      %mul3A_68 = arith.muli %scan3A_39, %mul3A_67 : i32
      %add3A_69 = arith.constant 1 : i32
      %add3A_70 = arith.addi %mul3A_68, %add3A_69 : i32
      %dma_wait3A_71 = arith.constant 0 : i32
      %dma_wait3A_72 = tpu.memref_slice %arg5[%add3A_70, %dma_wait3A_71] : memref<200x128xi32, #tpu.memory_space<vmem>> -> memref<1x128xi32, #tpu.memory_space<vmem>>
      %dma_wait3A_73 = tpu.memref_squeeze %dma_wait3A_72 : memref<1x128xi32, #tpu.memory_space<vmem>> -> memref<128xi32, #tpu.memory_space<vmem>>
      %dma_wait3A_74 = arith.constant 0 : i32
      %dma_wait3A_75 = arith.constant 0 : i32
      %dma_wait3A_76 = tpu.memref_slice %arg3[%dma_wait3A_74, %dma_wait3A_75] : memref<100000x128xf32, #tpu.memory_space<hbm>> -> memref<100000x128xf32, #tpu.memory_space<hbm>>
      tpu.wait_indirect_dma semaphore(%arg12 : memref<!tpu.dma_semaphore, #tpu.memory_space<semaphore_mem>>) src(%dma_wait3A_76 : memref<100000x128xf32, #tpu.memory_space<hbm>>) dst(%arg7 : memref<128x128xf32, #tpu.memory_space<vmem>>)
      %parallel_loop3A_77 = arith.constant 0 : i32
      %parallel_loop3A_78 = arith.constant 128 : i32
      %parallel_loop3A_79 = arith.constant 1 : i32
      scf.for %parallel_loop3A_195 = %parallel_loop3A_77 to %parallel_loop3A_78 step %parallel_loop3A_79  : i32 {
        %parallel_loop3A_196 = arith.index_cast %parallel_loop3A_195 : i32 to index
        %parallel_loop3A_197 = arith.constant 0 : index
        %parallel_loop3A_198 = tpu.vector_load %arg7[%parallel_loop3A_196, %parallel_loop3A_197] {strides = array<i32>} : memref<128x128xf32, #tpu.memory_space<vmem>>, vector<1x16xf32>,
        %parallel_loop3A_199 = vector.shape_cast %parallel_loop3A_198 : vector<1x16xf32> to vector<16xf32>
        %parallel_loop3A_200 = arith.constant 11.3137083 : f32
        %parallel_loop3A_201 = vector.broadcast %parallel_loop3A_200 : f32 to vector<16xf32>
        %parallel_loop3A_202 = arith.mulf %parallel_loop3A_199, %parallel_loop3A_201 : vector<16xf32>
        %parallel_loop3A_203 = arith.index_cast %parallel_loop3A_195 : i32 to index
        %parallel_loop3A_204 = arith.constant 0 : index
        %parallel_loop3A_205 = tpu.vector_load %arg7[%parallel_loop3A_203, %parallel_loop3A_204] {strides = array<i32>} : memref<128x128xf32, #tpu.memory_space<vmem>>, vector<1x16xf32>,
        %parallel_loop3A_206 = vector.shape_cast %parallel_loop3A_205 : vector<1x16xf32> to vector<16xf32>
        %parallel_loop3A_207 = vector.shape_cast %parallel_loop3A_202 : vector<16xf32> to vector<1x16xf32>
        tpu.vector_store %arg7[%parallel_loop3A_203, %parallel_loop3A_204], %parallel_loop3A_207 {strides = array<i32>} : memref<128x128xf32, #tpu.memory_space<vmem>>, vector<1x16xf32>,
        %parallel_loop3A_208 = arith.index_cast %parallel_loop3A_195 : i32 to index
        %parallel_loop3A_209 = arith.constant 16 : index
        %parallel_loop3A_210 = tpu.vector_load %arg7[%parallel_loop3A_208, %parallel_loop3A_209] {strides = array<i32>} : memref<128x128xf32, #tpu.memory_space<vmem>>, vector<1x16xf32>,
        %parallel_loop3A_211 = vector.shape_cast %parallel_loop3A_210 : vector<1x16xf32> to vector<16xf32>
        %parallel_loop3A_212 = arith.constant 11.3137083 : f32
        %parallel_loop3A_213 = vector.broadcast %parallel_loop3A_212 : f32 to vector<16xf32>
        %parallel_loop3A_214 = arith.mulf %parallel_loop3A_211, %parallel_loop3A_213 : vector<16xf32>
        %parallel_loop3A_215 = arith.index_cast %parallel_loop3A_195 : i32 to index
        %parallel_loop3A_216 = arith.constant 16 : index
        %parallel_loop3A_217 = tpu.vector_load %arg7[%parallel_loop3A_215, %parallel_loop3A_216] {strides = array<i32>} : memref<128x128xf32, #tpu.memory_space<vmem>>, vector<1x16xf32>,
        %parallel_loop3A_218 = vector.shape_cast %parallel_loop3A_217 : vector<1x16xf32> to vector<16xf32>
        %parallel_loop3A_219 = vector.shape_cast %parallel_loop3A_214 : vector<16xf32> to vector<1x16xf32>
        tpu.vector_store %arg7[%parallel_loop3A_215, %parallel_loop3A_216], %parallel_loop3A_219 {strides = array<i32>} : memref<128x128xf32, #tpu.memory_space<vmem>>, vector<1x16xf32>,
        %parallel_loop3A_220 = arith.index_cast %parallel_loop3A_195 : i32 to index
        %parallel_loop3A_221 = arith.constant 32 : index
        %parallel_loop3A_222 = tpu.vector_load %arg7[%parallel_loop3A_220, %parallel_loop3A_221] {strides = array<i32>} : memref<128x128xf32, #tpu.memory_space<vmem>>, vector<1x16xf32>,
        %parallel_loop3A_223 = vector.shape_cast %parallel_loop3A_222 : vector<1x16xf32> to vector<16xf32>
        %parallel_loop3A_224 = arith.constant 11.3137083 : f32
        %parallel_loop3A_225 = vector.broadcast %parallel_loop3A_224 : f32 to vector<16xf32>
        %parallel_loop3A_226 = arith.mulf %parallel_loop3A_223, %parallel_loop3A_225 : vector<16xf32>
        %parallel_loop3A_227 = arith.index_cast %parallel_loop3A_195 : i32 to index
        %parallel_loop3A_228 = arith.constant 32 : index
        %parallel_loop3A_229 = tpu.vector_load %arg7[%parallel_loop3A_227, %parallel_loop3A_228] {strides = array<i32>} : memref<128x128xf32, #tpu.memory_space<vmem>>, vector<1x16xf32>,
        %parallel_loop3A_230 = vector.shape_cast %parallel_loop3A_229 : vector<1x16xf32> to vector<16xf32>
        %parallel_loop3A_231 = vector.shape_cast %parallel_loop3A_226 : vector<16xf32> to vector<1x16xf32>
        tpu.vector_store %arg7[%parallel_loop3A_227, %parallel_loop3A_228], %parallel_loop3A_231 {strides = array<i32>} : memref<128x128xf32, #tpu.memory_space<vmem>>, vector<1x16xf32>,
        %parallel_loop3A_232 = arith.index_cast %parallel_loop3A_195 : i32 to index
        %parallel_loop3A_233 = arith.constant 48 : index
        %parallel_loop3A_234 = tpu.vector_load %arg7[%parallel_loop3A_232, %parallel_loop3A_233] {strides = array<i32>} : memref<128x128xf32, #tpu.memory_space<vmem>>, vector<1x16xf32>,
        %parallel_loop3A_235 = vector.shape_cast %parallel_loop3A_234 : vector<1x16xf32> to vector<16xf32>
        %parallel_loop3A_236 = arith.constant 11.3137083 : f32
        %parallel_loop3A_237 = vector.broadcast %parallel_loop3A_236 : f32 to vector<16xf32>
        %parallel_loop3A_238 = arith.mulf %parallel_loop3A_235, %parallel_loop3A_237 : vector<16xf32>
        %parallel_loop3A_239 = arith.index_cast %parallel_loop3A_195 : i32 to index
        %parallel_loop3A_240 = arith.constant 48 : index
        %parallel_loop3A_241 = tpu.vector_load %arg7[%parallel_loop3A_239, %parallel_loop3A_240] {strides = array<i32>} : memref<128x128xf32, #tpu.memory_space<vmem>>, vector<1x16xf32>,
        %parallel_loop3A_242 = vector.shape_cast %parallel_loop3A_241 : vector<1x16xf32> to vector<16xf32>
        %parallel_loop3A_243 = vector.shape_cast %parallel_loop3A_238 : vector<16xf32> to vector<1x16xf32>
        tpu.vector_store %arg7[%parallel_loop3A_239, %parallel_loop3A_240], %parallel_loop3A_243 {strides = array<i32>} : memref<128x128xf32, #tpu.memory_space<vmem>>, vector<1x16xf32>,
        %parallel_loop3A_244 = arith.index_cast %parallel_loop3A_195 : i32 to index
        %parallel_loop3A_245 = arith.constant 64 : index
        %parallel_loop3A_246 = tpu.vector_load %arg7[%parallel_loop3A_244, %parallel_loop3A_245] {strides = array<i32>} : memref<128x128xf32, #tpu.memory_space<vmem>>, vector<1x16xf32>,
        %parallel_loop3A_247 = vector.shape_cast %parallel_loop3A_246 : vector<1x16xf32> to vector<16xf32>
        %parallel_loop3A_248 = arith.constant 11.3137083 : f32
        %parallel_loop3A_249 = vector.broadcast %parallel_loop3A_248 : f32 to vector<16xf32>
        %parallel_loop3A_250 = arith.mulf %parallel_loop3A_247, %parallel_loop3A_249 : vector<16xf32>
        %parallel_loop3A_251 = arith.index_cast %parallel_loop3A_195 : i32 to index
        %parallel_loop3A_252 = arith.constant 64 : index
        %parallel_loop3A_253 = tpu.vector_load %arg7[%parallel_loop3A_251, %parallel_loop3A_252] {strides = array<i32>} : memref<128x128xf32, #tpu.memory_space<vmem>>, vector<1x16xf32>,
        %parallel_loop3A_254 = vector.shape_cast %parallel_loop3A_253 : vector<1x16xf32> to vector<16xf32>
        %parallel_loop3A_255 = vector.shape_cast %parallel_loop3A_250 : vector<16xf32> to vector<1x16xf32>
        tpu.vector_store %arg7[%parallel_loop3A_251, %parallel_loop3A_252], %parallel_loop3A_255 {strides = array<i32>} : memref<128x128xf32, #tpu.memory_space<vmem>>, vector<1x16xf32>,
        %parallel_loop3A_256 = arith.index_cast %parallel_loop3A_195 : i32 to index
        %parallel_loop3A_257 = arith.constant 80 : index
        %parallel_loop3A_258 = tpu.vector_load %arg7[%parallel_loop3A_256, %parallel_loop3A_257] {strides = array<i32>} : memref<128x128xf32, #tpu.memory_space<vmem>>, vector<1x16xf32>,
        %parallel_loop3A_259 = vector.shape_cast %parallel_loop3A_258 : vector<1x16xf32> to vector<16xf32>
        %parallel_loop3A_260 = arith.constant 11.3137083 : f32
        %parallel_loop3A_261 = vector.broadcast %parallel_loop3A_260 : f32 to vector<16xf32>
        %parallel_loop3A_262 = arith.mulf %parallel_loop3A_259, %parallel_loop3A_261 : vector<16xf32>
        %parallel_loop3A_263 = arith.index_cast %parallel_loop3A_195 : i32 to index
        %parallel_loop3A_264 = arith.constant 80 : index
        %parallel_loop3A_265 = tpu.vector_load %arg7[%parallel_loop3A_263, %parallel_loop3A_264] {strides = array<i32>} : memref<128x128xf32, #tpu.memory_space<vmem>>, vector<1x16xf32>,
        %parallel_loop3A_266 = vector.shape_cast %parallel_loop3A_265 : vector<1x16xf32> to vector<16xf32>
        %parallel_loop3A_267 = vector.shape_cast %parallel_loop3A_262 : vector<16xf32> to vector<1x16xf32>
        tpu.vector_store %arg7[%parallel_loop3A_263, %parallel_loop3A_264], %parallel_loop3A_267 {strides = array<i32>} : memref<128x128xf32, #tpu.memory_space<vmem>>, vector<1x16xf32>,
        %parallel_loop3A_268 = arith.index_cast %parallel_loop3A_195 : i32 to index
        %parallel_loop3A_269 = arith.constant 96 : index
        %parallel_loop3A_270 = tpu.vector_load %arg7[%parallel_loop3A_268, %parallel_loop3A_269] {strides = array<i32>} : memref<128x128xf32, #tpu.memory_space<vmem>>, vector<1x16xf32>,
        %parallel_loop3A_271 = vector.shape_cast %parallel_loop3A_270 : vector<1x16xf32> to vector<16xf32>
        %parallel_loop3A_272 = arith.constant 11.3137083 : f32
        %parallel_loop3A_273 = vector.broadcast %parallel_loop3A_272 : f32 to vector<16xf32>
        %parallel_loop3A_274 = arith.mulf %parallel_loop3A_271, %parallel_loop3A_273 : vector<16xf32>
        %parallel_loop3A_275 = arith.index_cast %parallel_loop3A_195 : i32 to index
        %parallel_loop3A_276 = arith.constant 96 : index
        %parallel_loop3A_277 = tpu.vector_load %arg7[%parallel_loop3A_275, %parallel_loop3A_276] {strides = array<i32>} : memref<128x128xf32, #tpu.memory_space<vmem>>, vector<1x16xf32>,
        %parallel_loop3A_278 = vector.shape_cast %parallel_loop3A_277 : vector<1x16xf32> to vector<16xf32>
        %parallel_loop3A_279 = vector.shape_cast %parallel_loop3A_274 : vector<16xf32> to vector<1x16xf32>
        tpu.vector_store %arg7[%parallel_loop3A_275, %parallel_loop3A_276], %parallel_loop3A_279 {strides = array<i32>} : memref<128x128xf32, #tpu.memory_space<vmem>>, vector<1x16xf32>,
        %parallel_loop3A_280 = arith.index_cast %parallel_loop3A_195 : i32 to index
        %parallel_loop3A_281 = arith.constant 112 : index
        %parallel_loop3A_282 = tpu.vector_load %arg7[%parallel_loop3A_280, %parallel_loop3A_281] {strides = array<i32>} : memref<128x128xf32, #tpu.memory_space<vmem>>, vector<1x16xf32>,
        %parallel_loop3A_283 = vector.shape_cast %parallel_loop3A_282 : vector<1x16xf32> to vector<16xf32>
        %parallel_loop3A_284 = arith.constant 11.3137083 : f32
        %parallel_loop3A_285 = vector.broadcast %parallel_loop3A_284 : f32 to vector<16xf32>
        %parallel_loop3A_286 = arith.mulf %parallel_loop3A_283, %parallel_loop3A_285 : vector<16xf32>
        %parallel_loop3A_287 = arith.index_cast %parallel_loop3A_195 : i32 to index
        %parallel_loop3A_288 = arith.constant 112 : index
        %parallel_loop3A_289 = tpu.vector_load %arg7[%parallel_loop3A_287, %parallel_loop3A_288] {strides = array<i32>} : memref<128x128xf32, #tpu.memory_space<vmem>>, vector<1x16xf32>,
        %parallel_loop3A_290 = vector.shape_cast %parallel_loop3A_289 : vector<1x16xf32> to vector<16xf32>
        %parallel_loop3A_291 = vector.shape_cast %parallel_loop3A_286 : vector<16xf32> to vector<1x16xf32>
        tpu.vector_store %arg7[%parallel_loop3A_287, %parallel_loop3A_288], %parallel_loop3A_291 {strides = array<i32>} : memref<128x128xf32, #tpu.memory_space<vmem>>, vector<1x16xf32>,
      } {sc.loop_unroll_factor = 4 : i64, sc.parallel_access}
      %mul3A_80 = arith.constant 128 : i32
      %mul3A_81 = arith.muli %add3A_70, %mul3A_80 : i32
      %add3A_82 = arith.addi %mul3A_2, %mul3A_81 : i32
      %dma_start3A_83 = arith.constant 0 : i32
      %dma_start3A_84 = tpu.memref_slice %arg4[%add3A_82, %dma_start3A_83] : memref<819200x128xf32, #tpu.memory_space<hbm>> -> memref<128x128xf32, #tpu.memory_space<hbm>>
      %dma_start3A_85 = arith.constant 0 : i32
      %dma_start3A_86 = tpu.memref_slice %arg4[%add3A_82, %dma_start3A_85] : memref<819200x128xf32, #tpu.memory_space<hbm>> -> memref<128x128xf32, #tpu.memory_space<hbm>>
      tpu.enqueue_dma source(%arg7 : memref<128x128xf32, #tpu.memory_space<vmem>>) target(%dma_start3A_86 : memref<128x128xf32, #tpu.memory_space<hbm>>) target_semaphore(%arg17 : memref<!tpu.dma_semaphore, #tpu.memory_space<semaphore_mem>>)
      %ge3A_87 = arith.constant 2 : i32
      %ge3A_88 = arith.cmpi sge, %add3A_70, %ge3A_87 : i32
      %convert_element_type3A_89 = arith.extui %ge3A_88 : i1 to i32
      %cond3A_90 = arith.constant 0 : i32
      %cond3A_91 = arith.cmpi ne, %convert_element_type3A_89, %cond3A_90 : i32
      scf.if %cond3A_91 {
        %sub3A = arith.constant 2 : i32
        %sub3A_195 = arith.subi %add3A_70, %sub3A : i32
        %mul3A_196 = arith.constant 128 : i32
        %mul3A_197 = arith.muli %sub3A_195, %mul3A_196 : i32
        %add3A_198 = arith.addi %mul3A_2, %mul3A_197 : i32
        %dma_wait3A_199 = arith.constant 0 : i32
        %dma_wait3A_200 = tpu.memref_slice %arg4[%add3A_198, %dma_wait3A_199] : memref<819200x128xf32, #tpu.memory_space<hbm>> -> memref<128x128xf32, #tpu.memory_space<hbm>>
        %dma_wait3A_201 = arith.constant 0 : i32
        %dma_wait3A_202 = tpu.memref_slice %arg4[%add3A_198, %dma_wait3A_201] : memref<819200x128xf32, #tpu.memory_space<hbm>> -> memref<128x128xf32, #tpu.memory_space<hbm>>
        tpu.wait_dma2 semaphore(%arg20 : memref<!tpu.dma_semaphore, #tpu.memory_space<semaphore_mem>>) src(%arg10 : memref<128x128xf32, #tpu.memory_space<vmem>>) dst(%dma_wait3A_202 : memref<128x128xf32, #tpu.memory_space<hbm>>)
      } else {
      }
      %add3A_92 = arith.constant 3 : i32
      %add3A_93 = arith.addi %add3A_70, %add3A_92 : i32
      %lt3A_94 = arith.constant 200 : i32
      %lt3A_95 = arith.cmpi slt, %add3A_93, %lt3A_94 : i32
      %convert_element_type3A_96 = arith.extui %lt3A_95 : i1 to i32
      %cond3A_97 = arith.constant 0 : i32
      %cond3A_98 = arith.cmpi ne, %convert_element_type3A_96, %cond3A_97 : i32
      scf.if %cond3A_98 {
        %add3A_195 = arith.constant 3 : i32
        %add3A_196 = arith.addi %add3A_70, %add3A_195 : i32
        %dma_start3A_197 = arith.constant 0 : i32
        %dma_start3A_198 = tpu.memref_slice %arg5[%add3A_196, %dma_start3A_197] : memref<200x128xi32, #tpu.memory_space<vmem>> -> memref<1x128xi32, #tpu.memory_space<vmem>>
        %dma_start3A_199 = tpu.memref_squeeze %dma_start3A_198 : memref<1x128xi32, #tpu.memory_space<vmem>> -> memref<128xi32, #tpu.memory_space<vmem>>
        %dma_start3A_200 = arith.constant 0 : i32
        %dma_start3A_201 = arith.constant 0 : i32
        %dma_start3A_202 = tpu.memref_slice %arg3[%dma_start3A_200, %dma_start3A_201] : memref<100000x128xf32, #tpu.memory_space<hbm>> -> memref<100000x128xf32, #tpu.memory_space<hbm>>
        tpu.enqueue_indirect_dma source(%dma_start3A_202 : memref<100000x128xf32, #tpu.memory_space<hbm>>) target(%arg10 : memref<128x128xf32, #tpu.memory_space<vmem>>) offsets(%dma_start3A_199 : memref<128xi32, #tpu.memory_space<vmem>>) semaphore(%arg15 : memref<!tpu.dma_semaphore, #tpu.memory_space<semaphore_mem>>)
      } else {
      }
      %mul3A_99 = arith.constant 5 : i32
      %mul3A_100 = arith.muli %scan3A_39, %mul3A_99 : i32
      %add3A_101 = arith.constant 2 : i32
      %add3A_102 = arith.addi %mul3A_100, %add3A_101 : i32
      %dma_wait3A_103 = arith.constant 0 : i32
      %dma_wait3A_104 = tpu.memref_slice %arg5[%add3A_102, %dma_wait3A_103] : memref<200x128xi32, #tpu.memory_space<vmem>> -> memref<1x128xi32, #tpu.memory_space<vmem>>
      %dma_wait3A_105 = tpu.memref_squeeze %dma_wait3A_104 : memref<1x128xi32, #tpu.memory_space<vmem>> -> memref<128xi32, #tpu.memory_space<vmem>>
      %dma_wait3A_106 = arith.constant 0 : i32
      %dma_wait3A_107 = arith.constant 0 : i32
      %dma_wait3A_108 = tpu.memref_slice %arg3[%dma_wait3A_106, %dma_wait3A_107] : memref<100000x128xf32, #tpu.memory_space<hbm>> -> memref<100000x128xf32, #tpu.memory_space<hbm>>
      tpu.wait_indirect_dma semaphore(%arg13 : memref<!tpu.dma_semaphore, #tpu.memory_space<semaphore_mem>>) src(%dma_wait3A_108 : memref<100000x128xf32, #tpu.memory_space<hbm>>) dst(%arg8 : memref<128x128xf32, #tpu.memory_space<vmem>>)
      %parallel_loop3A_109 = arith.constant 0 : i32
      %parallel_loop3A_110 = arith.constant 128 : i32
      %parallel_loop3A_111 = arith.constant 1 : i32
      scf.for %parallel_loop3A_195 = %parallel_loop3A_109 to %parallel_loop3A_110 step %parallel_loop3A_111  : i32 {
        %parallel_loop3A_196 = arith.index_cast %parallel_loop3A_195 : i32 to index
        %parallel_loop3A_197 = arith.constant 0 : index
        %parallel_loop3A_198 = tpu.vector_load %arg8[%parallel_loop3A_196, %parallel_loop3A_197] {strides = array<i32>} : memref<128x128xf32, #tpu.memory_space<vmem>>, vector<1x16xf32>,
        %parallel_loop3A_199 = vector.shape_cast %parallel_loop3A_198 : vector<1x16xf32> to vector<16xf32>
        %parallel_loop3A_200 = arith.constant 11.3137083 : f32
        %parallel_loop3A_201 = vector.broadcast %parallel_loop3A_200 : f32 to vector<16xf32>
        %parallel_loop3A_202 = arith.mulf %parallel_loop3A_199, %parallel_loop3A_201 : vector<16xf32>
        %parallel_loop3A_203 = arith.index_cast %parallel_loop3A_195 : i32 to index
        %parallel_loop3A_204 = arith.constant 0 : index
        %parallel_loop3A_205 = tpu.vector_load %arg8[%parallel_loop3A_203, %parallel_loop3A_204] {strides = array<i32>} : memref<128x128xf32, #tpu.memory_space<vmem>>, vector<1x16xf32>,
        %parallel_loop3A_206 = vector.shape_cast %parallel_loop3A_205 : vector<1x16xf32> to vector<16xf32>
        %parallel_loop3A_207 = vector.shape_cast %parallel_loop3A_202 : vector<16xf32> to vector<1x16xf32>
        tpu.vector_store %arg8[%parallel_loop3A_203, %parallel_loop3A_204], %parallel_loop3A_207 {strides = array<i32>} : memref<128x128xf32, #tpu.memory_space<vmem>>, vector<1x16xf32>,
        %parallel_loop3A_208 = arith.index_cast %parallel_loop3A_195 : i32 to index
        %parallel_loop3A_209 = arith.constant 16 : index
        %parallel_loop3A_210 = tpu.vector_load %arg8[%parallel_loop3A_208, %parallel_loop3A_209] {strides = array<i32>} : memref<128x128xf32, #tpu.memory_space<vmem>>, vector<1x16xf32>,
        %parallel_loop3A_211 = vector.shape_cast %parallel_loop3A_210 : vector<1x16xf32> to vector<16xf32>
        %parallel_loop3A_212 = arith.constant 11.3137083 : f32
        %parallel_loop3A_213 = vector.broadcast %parallel_loop3A_212 : f32 to vector<16xf32>
        %parallel_loop3A_214 = arith.mulf %parallel_loop3A_211, %parallel_loop3A_213 : vector<16xf32>
        %parallel_loop3A_215 = arith.index_cast %parallel_loop3A_195 : i32 to index
        %parallel_loop3A_216 = arith.constant 16 : index
        %parallel_loop3A_217 = tpu.vector_load %arg8[%parallel_loop3A_215, %parallel_loop3A_216] {strides = array<i32>} : memref<128x128xf32, #tpu.memory_space<vmem>>, vector<1x16xf32>,
        %parallel_loop3A_218 = vector.shape_cast %parallel_loop3A_217 : vector<1x16xf32> to vector<16xf32>
        %parallel_loop3A_219 = vector.shape_cast %parallel_loop3A_214 : vector<16xf32> to vector<1x16xf32>
        tpu.vector_store %arg8[%parallel_loop3A_215, %parallel_loop3A_216], %parallel_loop3A_219 {strides = array<i32>} : memref<128x128xf32, #tpu.memory_space<vmem>>, vector<1x16xf32>,
        %parallel_loop3A_220 = arith.index_cast %parallel_loop3A_195 : i32 to index
        %parallel_loop3A_221 = arith.constant 32 : index
        %parallel_loop3A_222 = tpu.vector_load %arg8[%parallel_loop3A_220, %parallel_loop3A_221] {strides = array<i32>} : memref<128x128xf32, #tpu.memory_space<vmem>>, vector<1x16xf32>,
        %parallel_loop3A_223 = vector.shape_cast %parallel_loop3A_222 : vector<1x16xf32> to vector<16xf32>
        %parallel_loop3A_224 = arith.constant 11.3137083 : f32
        %parallel_loop3A_225 = vector.broadcast %parallel_loop3A_224 : f32 to vector<16xf32>
        %parallel_loop3A_226 = arith.mulf %parallel_loop3A_223, %parallel_loop3A_225 : vector<16xf32>
        %parallel_loop3A_227 = arith.index_cast %parallel_loop3A_195 : i32 to index
        %parallel_loop3A_228 = arith.constant 32 : index
        %parallel_loop3A_229 = tpu.vector_load %arg8[%parallel_loop3A_227, %parallel_loop3A_228] {strides = array<i32>} : memref<128x128xf32, #tpu.memory_space<vmem>>, vector<1x16xf32>,
        %parallel_loop3A_230 = vector.shape_cast %parallel_loop3A_229 : vector<1x16xf32> to vector<16xf32>
        %parallel_loop3A_231 = vector.shape_cast %parallel_loop3A_226 : vector<16xf32> to vector<1x16xf32>
        tpu.vector_store %arg8[%parallel_loop3A_227, %parallel_loop3A_228], %parallel_loop3A_231 {strides = array<i32>} : memref<128x128xf32, #tpu.memory_space<vmem>>, vector<1x16xf32>,
        %parallel_loop3A_232 = arith.index_cast %parallel_loop3A_195 : i32 to index
        %parallel_loop3A_233 = arith.constant 48 : index
        %parallel_loop3A_234 = tpu.vector_load %arg8[%parallel_loop3A_232, %parallel_loop3A_233] {strides = array<i32>} : memref<128x128xf32, #tpu.memory_space<vmem>>, vector<1x16xf32>,
        %parallel_loop3A_235 = vector.shape_cast %parallel_loop3A_234 : vector<1x16xf32> to vector<16xf32>
        %parallel_loop3A_236 = arith.constant 11.3137083 : f32
        %parallel_loop3A_237 = vector.broadcast %parallel_loop3A_236 : f32 to vector<16xf32>
        %parallel_loop3A_238 = arith.mulf %parallel_loop3A_235, %parallel_loop3A_237 : vector<16xf32>
        %parallel_loop3A_239 = arith.index_cast %parallel_loop3A_195 : i32 to index
        %parallel_loop3A_240 = arith.constant 48 : index
        %parallel_loop3A_241 = tpu.vector_load %arg8[%parallel_loop3A_239, %parallel_loop3A_240] {strides = array<i32>} : memref<128x128xf32, #tpu.memory_space<vmem>>, vector<1x16xf32>,
        %parallel_loop3A_242 = vector.shape_cast %parallel_loop3A_241 : vector<1x16xf32> to vector<16xf32>
        %parallel_loop3A_243 = vector.shape_cast %parallel_loop3A_238 : vector<16xf32> to vector<1x16xf32>
        tpu.vector_store %arg8[%parallel_loop3A_239, %parallel_loop3A_240], %parallel_loop3A_243 {strides = array<i32>} : memref<128x128xf32, #tpu.memory_space<vmem>>, vector<1x16xf32>,
        %parallel_loop3A_244 = arith.index_cast %parallel_loop3A_195 : i32 to index
        %parallel_loop3A_245 = arith.constant 64 : index
        %parallel_loop3A_246 = tpu.vector_load %arg8[%parallel_loop3A_244, %parallel_loop3A_245] {strides = array<i32>} : memref<128x128xf32, #tpu.memory_space<vmem>>, vector<1x16xf32>,
        %parallel_loop3A_247 = vector.shape_cast %parallel_loop3A_246 : vector<1x16xf32> to vector<16xf32>
        %parallel_loop3A_248 = arith.constant 11.3137083 : f32
        %parallel_loop3A_249 = vector.broadcast %parallel_loop3A_248 : f32 to vector<16xf32>
        %parallel_loop3A_250 = arith.mulf %parallel_loop3A_247, %parallel_loop3A_249 : vector<16xf32>
        %parallel_loop3A_251 = arith.index_cast %parallel_loop3A_195 : i32 to index
        %parallel_loop3A_252 = arith.constant 64 : index
        %parallel_loop3A_253 = tpu.vector_load %arg8[%parallel_loop3A_251, %parallel_loop3A_252] {strides = array<i32>} : memref<128x128xf32, #tpu.memory_space<vmem>>, vector<1x16xf32>,
        %parallel_loop3A_254 = vector.shape_cast %parallel_loop3A_253 : vector<1x16xf32> to vector<16xf32>
        %parallel_loop3A_255 = vector.shape_cast %parallel_loop3A_250 : vector<16xf32> to vector<1x16xf32>
        tpu.vector_store %arg8[%parallel_loop3A_251, %parallel_loop3A_252], %parallel_loop3A_255 {strides = array<i32>} : memref<128x128xf32, #tpu.memory_space<vmem>>, vector<1x16xf32>,
        %parallel_loop3A_256 = arith.index_cast %parallel_loop3A_195 : i32 to index
        %parallel_loop3A_257 = arith.constant 80 : index
        %parallel_loop3A_258 = tpu.vector_load %arg8[%parallel_loop3A_256, %parallel_loop3A_257] {strides = array<i32>} : memref<128x128xf32, #tpu.memory_space<vmem>>, vector<1x16xf32>,
        %parallel_loop3A_259 = vector.shape_cast %parallel_loop3A_258 : vector<1x16xf32> to vector<16xf32>
        %parallel_loop3A_260 = arith.constant 11.3137083 : f32
        %parallel_loop3A_261 = vector.broadcast %parallel_loop3A_260 : f32 to vector<16xf32>
        %parallel_loop3A_262 = arith.mulf %parallel_loop3A_259, %parallel_loop3A_261 : vector<16xf32>
        %parallel_loop3A_263 = arith.index_cast %parallel_loop3A_195 : i32 to index
        %parallel_loop3A_264 = arith.constant 80 : index
        %parallel_loop3A_265 = tpu.vector_load %arg8[%parallel_loop3A_263, %parallel_loop3A_264] {strides = array<i32>} : memref<128x128xf32, #tpu.memory_space<vmem>>, vector<1x16xf32>,
        %parallel_loop3A_266 = vector.shape_cast %parallel_loop3A_265 : vector<1x16xf32> to vector<16xf32>
        %parallel_loop3A_267 = vector.shape_cast %parallel_loop3A_262 : vector<16xf32> to vector<1x16xf32>
        tpu.vector_store %arg8[%parallel_loop3A_263, %parallel_loop3A_264], %parallel_loop3A_267 {strides = array<i32>} : memref<128x128xf32, #tpu.memory_space<vmem>>, vector<1x16xf32>,
        %parallel_loop3A_268 = arith.index_cast %parallel_loop3A_195 : i32 to index
        %parallel_loop3A_269 = arith.constant 96 : index
        %parallel_loop3A_270 = tpu.vector_load %arg8[%parallel_loop3A_268, %parallel_loop3A_269] {strides = array<i32>} : memref<128x128xf32, #tpu.memory_space<vmem>>, vector<1x16xf32>,
        %parallel_loop3A_271 = vector.shape_cast %parallel_loop3A_270 : vector<1x16xf32> to vector<16xf32>
        %parallel_loop3A_272 = arith.constant 11.3137083 : f32
        %parallel_loop3A_273 = vector.broadcast %parallel_loop3A_272 : f32 to vector<16xf32>
        %parallel_loop3A_274 = arith.mulf %parallel_loop3A_271, %parallel_loop3A_273 : vector<16xf32>
        %parallel_loop3A_275 = arith.index_cast %parallel_loop3A_195 : i32 to index
        %parallel_loop3A_276 = arith.constant 96 : index
        %parallel_loop3A_277 = tpu.vector_load %arg8[%parallel_loop3A_275, %parallel_loop3A_276] {strides = array<i32>} : memref<128x128xf32, #tpu.memory_space<vmem>>, vector<1x16xf32>,
        %parallel_loop3A_278 = vector.shape_cast %parallel_loop3A_277 : vector<1x16xf32> to vector<16xf32>
        %parallel_loop3A_279 = vector.shape_cast %parallel_loop3A_274 : vector<16xf32> to vector<1x16xf32>
        tpu.vector_store %arg8[%parallel_loop3A_275, %parallel_loop3A_276], %parallel_loop3A_279 {strides = array<i32>} : memref<128x128xf32, #tpu.memory_space<vmem>>, vector<1x16xf32>,
        %parallel_loop3A_280 = arith.index_cast %parallel_loop3A_195 : i32 to index
        %parallel_loop3A_281 = arith.constant 112 : index
        %parallel_loop3A_282 = tpu.vector_load %arg8[%parallel_loop3A_280, %parallel_loop3A_281] {strides = array<i32>} : memref<128x128xf32, #tpu.memory_space<vmem>>, vector<1x16xf32>,
        %parallel_loop3A_283 = vector.shape_cast %parallel_loop3A_282 : vector<1x16xf32> to vector<16xf32>
        %parallel_loop3A_284 = arith.constant 11.3137083 : f32
        %parallel_loop3A_285 = vector.broadcast %parallel_loop3A_284 : f32 to vector<16xf32>
        %parallel_loop3A_286 = arith.mulf %parallel_loop3A_283, %parallel_loop3A_285 : vector<16xf32>
        %parallel_loop3A_287 = arith.index_cast %parallel_loop3A_195 : i32 to index
        %parallel_loop3A_288 = arith.constant 112 : index
        %parallel_loop3A_289 = tpu.vector_load %arg8[%parallel_loop3A_287, %parallel_loop3A_288] {strides = array<i32>} : memref<128x128xf32, #tpu.memory_space<vmem>>, vector<1x16xf32>,
        %parallel_loop3A_290 = vector.shape_cast %parallel_loop3A_289 : vector<1x16xf32> to vector<16xf32>
        %parallel_loop3A_291 = vector.shape_cast %parallel_loop3A_286 : vector<16xf32> to vector<1x16xf32>
        tpu.vector_store %arg8[%parallel_loop3A_287, %parallel_loop3A_288], %parallel_loop3A_291 {strides = array<i32>} : memref<128x128xf32, #tpu.memory_space<vmem>>, vector<1x16xf32>,
      } {sc.loop_unroll_factor = 4 : i64, sc.parallel_access}
      %mul3A_112 = arith.constant 128 : i32
      %mul3A_113 = arith.muli %add3A_102, %mul3A_112 : i32
      %add3A_114 = arith.addi %mul3A_2, %mul3A_113 : i32
      %dma_start3A_115 = arith.constant 0 : i32
      %dma_start3A_116 = tpu.memref_slice %arg4[%add3A_114, %dma_start3A_115] : memref<819200x128xf32, #tpu.memory_space<hbm>> -> memref<128x128xf32, #tpu.memory_space<hbm>>
      %dma_start3A_117 = arith.constant 0 : i32
      %dma_start3A_118 = tpu.memref_slice %arg4[%add3A_114, %dma_start3A_117] : memref<819200x128xf32, #tpu.memory_space<hbm>> -> memref<128x128xf32, #tpu.memory_space<hbm>>
      tpu.enqueue_dma source(%arg8 : memref<128x128xf32, #tpu.memory_space<vmem>>) target(%dma_start3A_118 : memref<128x128xf32, #tpu.memory_space<hbm>>) target_semaphore(%arg18 : memref<!tpu.dma_semaphore, #tpu.memory_space<semaphore_mem>>)
      %ge3A_119 = arith.constant 2 : i32
      %ge3A_120 = arith.cmpi sge, %add3A_102, %ge3A_119 : i32
      %convert_element_type3A_121 = arith.extui %ge3A_120 : i1 to i32
      %cond3A_122 = arith.constant 0 : i32
      %cond3A_123 = arith.cmpi ne, %convert_element_type3A_121, %cond3A_122 : i32
      scf.if %cond3A_123 {
        %sub3A = arith.constant 2 : i32
        %sub3A_195 = arith.subi %add3A_102, %sub3A : i32
        %mul3A_196 = arith.constant 128 : i32
        %mul3A_197 = arith.muli %sub3A_195, %mul3A_196 : i32
        %add3A_198 = arith.addi %mul3A_2, %mul3A_197 : i32
        %dma_wait3A_199 = arith.constant 0 : i32
        %dma_wait3A_200 = tpu.memref_slice %arg4[%add3A_198, %dma_wait3A_199] : memref<819200x128xf32, #tpu.memory_space<hbm>> -> memref<128x128xf32, #tpu.memory_space<hbm>>
        %dma_wait3A_201 = arith.constant 0 : i32
        %dma_wait3A_202 = tpu.memref_slice %arg4[%add3A_198, %dma_wait3A_201] : memref<819200x128xf32, #tpu.memory_space<hbm>> -> memref<128x128xf32, #tpu.memory_space<hbm>>
        tpu.wait_dma2 semaphore(%arg16 : memref<!tpu.dma_semaphore, #tpu.memory_space<semaphore_mem>>) src(%arg6 : memref<128x128xf32, #tpu.memory_space<vmem>>) dst(%dma_wait3A_202 : memref<128x128xf32, #tpu.memory_space<hbm>>)
      } else {
      }
      %add3A_124 = arith.constant 3 : i32
      %add3A_125 = arith.addi %add3A_102, %add3A_124 : i32
      %lt3A_126 = arith.constant 200 : i32
      %lt3A_127 = arith.cmpi slt, %add3A_125, %lt3A_126 : i32
      %convert_element_type3A_128 = arith.extui %lt3A_127 : i1 to i32
      %cond3A_129 = arith.constant 0 : i32
      %cond3A_130 = arith.cmpi ne, %convert_element_type3A_128, %cond3A_129 : i32
      scf.if %cond3A_130 {
        %add3A_195 = arith.constant 3 : i32
        %add3A_196 = arith.addi %add3A_102, %add3A_195 : i32
        %dma_start3A_197 = arith.constant 0 : i32
        %dma_start3A_198 = tpu.memref_slice %arg5[%add3A_196, %dma_start3A_197] : memref<200x128xi32, #tpu.memory_space<vmem>> -> memref<1x128xi32, #tpu.memory_space<vmem>>
        %dma_start3A_199 = tpu.memref_squeeze %dma_start3A_198 : memref<1x128xi32, #tpu.memory_space<vmem>> -> memref<128xi32, #tpu.memory_space<vmem>>
        %dma_start3A_200 = arith.constant 0 : i32
        %dma_start3A_201 = arith.constant 0 : i32
        %dma_start3A_202 = tpu.memref_slice %arg3[%dma_start3A_200, %dma_start3A_201] : memref<100000x128xf32, #tpu.memory_space<hbm>> -> memref<100000x128xf32, #tpu.memory_space<hbm>>
        tpu.enqueue_indirect_dma source(%dma_start3A_202 : memref<100000x128xf32, #tpu.memory_space<hbm>>) target(%arg6 : memref<128x128xf32, #tpu.memory_space<vmem>>) offsets(%dma_start3A_199 : memref<128xi32, #tpu.memory_space<vmem>>) semaphore(%arg11 : memref<!tpu.dma_semaphore, #tpu.memory_space<semaphore_mem>>)
      } else {
      }
      %mul3A_131 = arith.constant 5 : i32
      %mul3A_132 = arith.muli %scan3A_39, %mul3A_131 : i32
      %add3A_133 = arith.constant 3 : i32
      %add3A_134 = arith.addi %mul3A_132, %add3A_133 : i32
      %dma_wait3A_135 = arith.constant 0 : i32
      %dma_wait3A_136 = tpu.memref_slice %arg5[%add3A_134, %dma_wait3A_135] : memref<200x128xi32, #tpu.memory_space<vmem>> -> memref<1x128xi32, #tpu.memory_space<vmem>>
      %dma_wait3A_137 = tpu.memref_squeeze %dma_wait3A_136 : memref<1x128xi32, #tpu.memory_space<vmem>> -> memref<128xi32, #tpu.memory_space<vmem>>
      %dma_wait3A_138 = arith.constant 0 : i32
      %dma_wait3A_139 = arith.constant 0 : i32
      %dma_wait3A_140 = tpu.memref_slice %arg3[%dma_wait3A_138, %dma_wait3A_139] : memref<100000x128xf32, #tpu.memory_space<hbm>> -> memref<100000x128xf32, #tpu.memory_space<hbm>>
      tpu.wait_indirect_dma semaphore(%arg14 : memref<!tpu.dma_semaphore, #tpu.memory_space<semaphore_mem>>) src(%dma_wait3A_140 : memref<100000x128xf32, #tpu.memory_space<hbm>>) dst(%arg9 : memref<128x128xf32, #tpu.memory_space<vmem>>)
      %parallel_loop3A_141 = arith.constant 0 : i32
      %parallel_loop3A_142 = arith.constant 128 : i32
      %parallel_loop3A_143 = arith.constant 1 : i32
      scf.for %parallel_loop3A_195 = %parallel_loop3A_141 to %parallel_loop3A_142 step %parallel_loop3A_143  : i32 {
        %parallel_loop3A_196 = arith.index_cast %parallel_loop3A_195 : i32 to index
        %parallel_loop3A_197 = arith.constant 0 : index
        %parallel_loop3A_198 = tpu.vector_load %arg9[%parallel_loop3A_196, %parallel_loop3A_197] {strides = array<i32>} : memref<128x128xf32, #tpu.memory_space<vmem>>, vector<1x16xf32>,
        %parallel_loop3A_199 = vector.shape_cast %parallel_loop3A_198 : vector<1x16xf32> to vector<16xf32>
        %parallel_loop3A_200 = arith.constant 11.3137083 : f32
        %parallel_loop3A_201 = vector.broadcast %parallel_loop3A_200 : f32 to vector<16xf32>
        %parallel_loop3A_202 = arith.mulf %parallel_loop3A_199, %parallel_loop3A_201 : vector<16xf32>
        %parallel_loop3A_203 = arith.index_cast %parallel_loop3A_195 : i32 to index
        %parallel_loop3A_204 = arith.constant 0 : index
        %parallel_loop3A_205 = tpu.vector_load %arg9[%parallel_loop3A_203, %parallel_loop3A_204] {strides = array<i32>} : memref<128x128xf32, #tpu.memory_space<vmem>>, vector<1x16xf32>,
        %parallel_loop3A_206 = vector.shape_cast %parallel_loop3A_205 : vector<1x16xf32> to vector<16xf32>
        %parallel_loop3A_207 = vector.shape_cast %parallel_loop3A_202 : vector<16xf32> to vector<1x16xf32>
        tpu.vector_store %arg9[%parallel_loop3A_203, %parallel_loop3A_204], %parallel_loop3A_207 {strides = array<i32>} : memref<128x128xf32, #tpu.memory_space<vmem>>, vector<1x16xf32>,
        %parallel_loop3A_208 = arith.index_cast %parallel_loop3A_195 : i32 to index
        %parallel_loop3A_209 = arith.constant 16 : index
        %parallel_loop3A_210 = tpu.vector_load %arg9[%parallel_loop3A_208, %parallel_loop3A_209] {strides = array<i32>} : memref<128x128xf32, #tpu.memory_space<vmem>>, vector<1x16xf32>,
        %parallel_loop3A_211 = vector.shape_cast %parallel_loop3A_210 : vector<1x16xf32> to vector<16xf32>
        %parallel_loop3A_212 = arith.constant 11.3137083 : f32
        %parallel_loop3A_213 = vector.broadcast %parallel_loop3A_212 : f32 to vector<16xf32>
        %parallel_loop3A_214 = arith.mulf %parallel_loop3A_211, %parallel_loop3A_213 : vector<16xf32>
        %parallel_loop3A_215 = arith.index_cast %parallel_loop3A_195 : i32 to index
        %parallel_loop3A_216 = arith.constant 16 : index
        %parallel_loop3A_217 = tpu.vector_load %arg9[%parallel_loop3A_215, %parallel_loop3A_216] {strides = array<i32>} : memref<128x128xf32, #tpu.memory_space<vmem>>, vector<1x16xf32>,
        %parallel_loop3A_218 = vector.shape_cast %parallel_loop3A_217 : vector<1x16xf32> to vector<16xf32>
        %parallel_loop3A_219 = vector.shape_cast %parallel_loop3A_214 : vector<16xf32> to vector<1x16xf32>
        tpu.vector_store %arg9[%parallel_loop3A_215, %parallel_loop3A_216], %parallel_loop3A_219 {strides = array<i32>} : memref<128x128xf32, #tpu.memory_space<vmem>>, vector<1x16xf32>,
        %parallel_loop3A_220 = arith.index_cast %parallel_loop3A_195 : i32 to index
        %parallel_loop3A_221 = arith.constant 32 : index
        %parallel_loop3A_222 = tpu.vector_load %arg9[%parallel_loop3A_220, %parallel_loop3A_221] {strides = array<i32>} : memref<128x128xf32, #tpu.memory_space<vmem>>, vector<1x16xf32>,
        %parallel_loop3A_223 = vector.shape_cast %parallel_loop3A_222 : vector<1x16xf32> to vector<16xf32>
        %parallel_loop3A_224 = arith.constant 11.3137083 : f32
        %parallel_loop3A_225 = vector.broadcast %parallel_loop3A_224 : f32 to vector<16xf32>
        %parallel_loop3A_226 = arith.mulf %parallel_loop3A_223, %parallel_loop3A_225 : vector<16xf32>
        %parallel_loop3A_227 = arith.index_cast %parallel_loop3A_195 : i32 to index
        %parallel_loop3A_228 = arith.constant 32 : index
        %parallel_loop3A_229 = tpu.vector_load %arg9[%parallel_loop3A_227, %parallel_loop3A_228] {strides = array<i32>} : memref<128x128xf32, #tpu.memory_space<vmem>>, vector<1x16xf32>,
        %parallel_loop3A_230 = vector.shape_cast %parallel_loop3A_229 : vector<1x16xf32> to vector<16xf32>
        %parallel_loop3A_231 = vector.shape_cast %parallel_loop3A_226 : vector<16xf32> to vector<1x16xf32>
        tpu.vector_store %arg9[%parallel_loop3A_227, %parallel_loop3A_228], %parallel_loop3A_231 {strides = array<i32>} : memref<128x128xf32, #tpu.memory_space<vmem>>, vector<1x16xf32>,
        %parallel_loop3A_232 = arith.index_cast %parallel_loop3A_195 : i32 to index
        %parallel_loop3A_233 = arith.constant 48 : index
        %parallel_loop3A_234 = tpu.vector_load %arg9[%parallel_loop3A_232, %parallel_loop3A_233] {strides = array<i32>} : memref<128x128xf32, #tpu.memory_space<vmem>>, vector<1x16xf32>,
        %parallel_loop3A_235 = vector.shape_cast %parallel_loop3A_234 : vector<1x16xf32> to vector<16xf32>
        %parallel_loop3A_236 = arith.constant 11.3137083 : f32
        %parallel_loop3A_237 = vector.broadcast %parallel_loop3A_236 : f32 to vector<16xf32>
        %parallel_loop3A_238 = arith.mulf %parallel_loop3A_235, %parallel_loop3A_237 : vector<16xf32>
        %parallel_loop3A_239 = arith.index_cast %parallel_loop3A_195 : i32 to index
        %parallel_loop3A_240 = arith.constant 48 : index
        %parallel_loop3A_241 = tpu.vector_load %arg9[%parallel_loop3A_239, %parallel_loop3A_240] {strides = array<i32>} : memref<128x128xf32, #tpu.memory_space<vmem>>, vector<1x16xf32>,
        %parallel_loop3A_242 = vector.shape_cast %parallel_loop3A_241 : vector<1x16xf32> to vector<16xf32>
        %parallel_loop3A_243 = vector.shape_cast %parallel_loop3A_238 : vector<16xf32> to vector<1x16xf32>
        tpu.vector_store %arg9[%parallel_loop3A_239, %parallel_loop3A_240], %parallel_loop3A_243 {strides = array<i32>} : memref<128x128xf32, #tpu.memory_space<vmem>>, vector<1x16xf32>,
        %parallel_loop3A_244 = arith.index_cast %parallel_loop3A_195 : i32 to index
        %parallel_loop3A_245 = arith.constant 64 : index
        %parallel_loop3A_246 = tpu.vector_load %arg9[%parallel_loop3A_244, %parallel_loop3A_245] {strides = array<i32>} : memref<128x128xf32, #tpu.memory_space<vmem>>, vector<1x16xf32>,
        %parallel_loop3A_247 = vector.shape_cast %parallel_loop3A_246 : vector<1x16xf32> to vector<16xf32>
        %parallel_loop3A_248 = arith.constant 11.3137083 : f32
        %parallel_loop3A_249 = vector.broadcast %parallel_loop3A_248 : f32 to vector<16xf32>
        %parallel_loop3A_250 = arith.mulf %parallel_loop3A_247, %parallel_loop3A_249 : vector<16xf32>
        %parallel_loop3A_251 = arith.index_cast %parallel_loop3A_195 : i32 to index
        %parallel_loop3A_252 = arith.constant 64 : index
        %parallel_loop3A_253 = tpu.vector_load %arg9[%parallel_loop3A_251, %parallel_loop3A_252] {strides = array<i32>} : memref<128x128xf32, #tpu.memory_space<vmem>>, vector<1x16xf32>,
        %parallel_loop3A_254 = vector.shape_cast %parallel_loop3A_253 : vector<1x16xf32> to vector<16xf32>
        %parallel_loop3A_255 = vector.shape_cast %parallel_loop3A_250 : vector<16xf32> to vector<1x16xf32>
        tpu.vector_store %arg9[%parallel_loop3A_251, %parallel_loop3A_252], %parallel_loop3A_255 {strides = array<i32>} : memref<128x128xf32, #tpu.memory_space<vmem>>, vector<1x16xf32>,
        %parallel_loop3A_256 = arith.index_cast %parallel_loop3A_195 : i32 to index
        %parallel_loop3A_257 = arith.constant 80 : index
        %parallel_loop3A_258 = tpu.vector_load %arg9[%parallel_loop3A_256, %parallel_loop3A_257] {strides = array<i32>} : memref<128x128xf32, #tpu.memory_space<vmem>>, vector<1x16xf32>,
        %parallel_loop3A_259 = vector.shape_cast %parallel_loop3A_258 : vector<1x16xf32> to vector<16xf32>
        %parallel_loop3A_260 = arith.constant 11.3137083 : f32
        %parallel_loop3A_261 = vector.broadcast %parallel_loop3A_260 : f32 to vector<16xf32>
        %parallel_loop3A_262 = arith.mulf %parallel_loop3A_259, %parallel_loop3A_261 : vector<16xf32>
        %parallel_loop3A_263 = arith.index_cast %parallel_loop3A_195 : i32 to index
        %parallel_loop3A_264 = arith.constant 80 : index
        %parallel_loop3A_265 = tpu.vector_load %arg9[%parallel_loop3A_263, %parallel_loop3A_264] {strides = array<i32>} : memref<128x128xf32, #tpu.memory_space<vmem>>, vector<1x16xf32>,
        %parallel_loop3A_266 = vector.shape_cast %parallel_loop3A_265 : vector<1x16xf32> to vector<16xf32>
        %parallel_loop3A_267 = vector.shape_cast %parallel_loop3A_262 : vector<16xf32> to vector<1x16xf32>
        tpu.vector_store %arg9[%parallel_loop3A_263, %parallel_loop3A_264], %parallel_loop3A_267 {strides = array<i32>} : memref<128x128xf32, #tpu.memory_space<vmem>>, vector<1x16xf32>,
        %parallel_loop3A_268 = arith.index_cast %parallel_loop3A_195 : i32 to index
        %parallel_loop3A_269 = arith.constant 96 : index
        %parallel_loop3A_270 = tpu.vector_load %arg9[%parallel_loop3A_268, %parallel_loop3A_269] {strides = array<i32>} : memref<128x128xf32, #tpu.memory_space<vmem>>, vector<1x16xf32>,
        %parallel_loop3A_271 = vector.shape_cast %parallel_loop3A_270 : vector<1x16xf32> to vector<16xf32>
        %parallel_loop3A_272 = arith.constant 11.3137083 : f32
        %parallel_loop3A_273 = vector.broadcast %parallel_loop3A_272 : f32 to vector<16xf32>
        %parallel_loop3A_274 = arith.mulf %parallel_loop3A_271, %parallel_loop3A_273 : vector<16xf32>
        %parallel_loop3A_275 = arith.index_cast %parallel_loop3A_195 : i32 to index
        %parallel_loop3A_276 = arith.constant 96 : index
        %parallel_loop3A_277 = tpu.vector_load %arg9[%parallel_loop3A_275, %parallel_loop3A_276] {strides = array<i32>} : memref<128x128xf32, #tpu.memory_space<vmem>>, vector<1x16xf32>,
        %parallel_loop3A_278 = vector.shape_cast %parallel_loop3A_277 : vector<1x16xf32> to vector<16xf32>
        %parallel_loop3A_279 = vector.shape_cast %parallel_loop3A_274 : vector<16xf32> to vector<1x16xf32>
        tpu.vector_store %arg9[%parallel_loop3A_275, %parallel_loop3A_276], %parallel_loop3A_279 {strides = array<i32>} : memref<128x128xf32, #tpu.memory_space<vmem>>, vector<1x16xf32>,
        %parallel_loop3A_280 = arith.index_cast %parallel_loop3A_195 : i32 to index
        %parallel_loop3A_281 = arith.constant 112 : index
        %parallel_loop3A_282 = tpu.vector_load %arg9[%parallel_loop3A_280, %parallel_loop3A_281] {strides = array<i32>} : memref<128x128xf32, #tpu.memory_space<vmem>>, vector<1x16xf32>,
        %parallel_loop3A_283 = vector.shape_cast %parallel_loop3A_282 : vector<1x16xf32> to vector<16xf32>
        %parallel_loop3A_284 = arith.constant 11.3137083 : f32
        %parallel_loop3A_285 = vector.broadcast %parallel_loop3A_284 : f32 to vector<16xf32>
        %parallel_loop3A_286 = arith.mulf %parallel_loop3A_283, %parallel_loop3A_285 : vector<16xf32>
        %parallel_loop3A_287 = arith.index_cast %parallel_loop3A_195 : i32 to index
        %parallel_loop3A_288 = arith.constant 112 : index
        %parallel_loop3A_289 = tpu.vector_load %arg9[%parallel_loop3A_287, %parallel_loop3A_288] {strides = array<i32>} : memref<128x128xf32, #tpu.memory_space<vmem>>, vector<1x16xf32>,
        %parallel_loop3A_290 = vector.shape_cast %parallel_loop3A_289 : vector<1x16xf32> to vector<16xf32>
        %parallel_loop3A_291 = vector.shape_cast %parallel_loop3A_286 : vector<16xf32> to vector<1x16xf32>
        tpu.vector_store %arg9[%parallel_loop3A_287, %parallel_loop3A_288], %parallel_loop3A_291 {strides = array<i32>} : memref<128x128xf32, #tpu.memory_space<vmem>>, vector<1x16xf32>,
      } {sc.loop_unroll_factor = 4 : i64, sc.parallel_access}
      %mul3A_144 = arith.constant 128 : i32
      %mul3A_145 = arith.muli %add3A_134, %mul3A_144 : i32
      %add3A_146 = arith.addi %mul3A_2, %mul3A_145 : i32
      %dma_start3A_147 = arith.constant 0 : i32
      %dma_start3A_148 = tpu.memref_slice %arg4[%add3A_146, %dma_start3A_147] : memref<819200x128xf32, #tpu.memory_space<hbm>> -> memref<128x128xf32, #tpu.memory_space<hbm>>
      %dma_start3A_149 = arith.constant 0 : i32
      %dma_start3A_150 = tpu.memref_slice %arg4[%add3A_146, %dma_start3A_149] : memref<819200x128xf32, #tpu.memory_space<hbm>> -> memref<128x128xf32, #tpu.memory_space<hbm>>
      tpu.enqueue_dma source(%arg9 : memref<128x128xf32, #tpu.memory_space<vmem>>) target(%dma_start3A_150 : memref<128x128xf32, #tpu.memory_space<hbm>>) target_semaphore(%arg19 : memref<!tpu.dma_semaphore, #tpu.memory_space<semaphore_mem>>)
      %ge3A_151 = arith.constant 2 : i32
      %ge3A_152 = arith.cmpi sge, %add3A_134, %ge3A_151 : i32
      %convert_element_type3A_153 = arith.extui %ge3A_152 : i1 to i32
      %cond3A_154 = arith.constant 0 : i32
      %cond3A_155 = arith.cmpi ne, %convert_element_type3A_153, %cond3A_154 : i32
      scf.if %cond3A_155 {
        %sub3A = arith.constant 2 : i32
        %sub3A_195 = arith.subi %add3A_134, %sub3A : i32
        %mul3A_196 = arith.constant 128 : i32
        %mul3A_197 = arith.muli %sub3A_195, %mul3A_196 : i32
        %add3A_198 = arith.addi %mul3A_2, %mul3A_197 : i32
        %dma_wait3A_199 = arith.constant 0 : i32
        %dma_wait3A_200 = tpu.memref_slice %arg4[%add3A_198, %dma_wait3A_199] : memref<819200x128xf32, #tpu.memory_space<hbm>> -> memref<128x128xf32, #tpu.memory_space<hbm>>
        %dma_wait3A_201 = arith.constant 0 : i32
        %dma_wait3A_202 = tpu.memref_slice %arg4[%add3A_198, %dma_wait3A_201] : memref<819200x128xf32, #tpu.memory_space<hbm>> -> memref<128x128xf32, #tpu.memory_space<hbm>>
        tpu.wait_dma2 semaphore(%arg17 : memref<!tpu.dma_semaphore, #tpu.memory_space<semaphore_mem>>) src(%arg7 : memref<128x128xf32, #tpu.memory_space<vmem>>) dst(%dma_wait3A_202 : memref<128x128xf32, #tpu.memory_space<hbm>>)
      } else {
      }
      %add3A_156 = arith.constant 3 : i32
      %add3A_157 = arith.addi %add3A_134, %add3A_156 : i32
      %lt3A_158 = arith.constant 200 : i32
      %lt3A_159 = arith.cmpi slt, %add3A_157, %lt3A_158 : i32
      %convert_element_type3A_160 = arith.extui %lt3A_159 : i1 to i32
      %cond3A_161 = arith.constant 0 : i32
      %cond3A_162 = arith.cmpi ne, %convert_element_type3A_160, %cond3A_161 : i32
      scf.if %cond3A_162 {
        %add3A_195 = arith.constant 3 : i32
        %add3A_196 = arith.addi %add3A_134, %add3A_195 : i32
        %dma_start3A_197 = arith.constant 0 : i32
        %dma_start3A_198 = tpu.memref_slice %arg5[%add3A_196, %dma_start3A_197] : memref<200x128xi32, #tpu.memory_space<vmem>> -> memref<1x128xi32, #tpu.memory_space<vmem>>
        %dma_start3A_199 = tpu.memref_squeeze %dma_start3A_198 : memref<1x128xi32, #tpu.memory_space<vmem>> -> memref<128xi32, #tpu.memory_space<vmem>>
        %dma_start3A_200 = arith.constant 0 : i32
        %dma_start3A_201 = arith.constant 0 : i32
        %dma_start3A_202 = tpu.memref_slice %arg3[%dma_start3A_200, %dma_start3A_201] : memref<100000x128xf32, #tpu.memory_space<hbm>> -> memref<100000x128xf32, #tpu.memory_space<hbm>>
        tpu.enqueue_indirect_dma source(%dma_start3A_202 : memref<100000x128xf32, #tpu.memory_space<hbm>>) target(%arg7 : memref<128x128xf32, #tpu.memory_space<vmem>>) offsets(%dma_start3A_199 : memref<128xi32, #tpu.memory_space<vmem>>) semaphore(%arg12 : memref<!tpu.dma_semaphore, #tpu.memory_space<semaphore_mem>>)
      } else {
      }
      %mul3A_163 = arith.constant 5 : i32
      %mul3A_164 = arith.muli %scan3A_39, %mul3A_163 : i32
      %add3A_165 = arith.constant 4 : i32
      %add3A_166 = arith.addi %mul3A_164, %add3A_165 : i32
      %dma_wait3A_167 = arith.constant 0 : i32
      %dma_wait3A_168 = tpu.memref_slice %arg5[%add3A_166, %dma_wait3A_167] : memref<200x128xi32, #tpu.memory_space<vmem>> -> memref<1x128xi32, #tpu.memory_space<vmem>>
      %dma_wait3A_169 = tpu.memref_squeeze %dma_wait3A_168 : memref<1x128xi32, #tpu.memory_space<vmem>> -> memref<128xi32, #tpu.memory_space<vmem>>
      %dma_wait3A_170 = arith.constant 0 : i32
      %dma_wait3A_171 = arith.constant 0 : i32
      %dma_wait3A_172 = tpu.memref_slice %arg3[%dma_wait3A_170, %dma_wait3A_171] : memref<100000x128xf32, #tpu.memory_space<hbm>> -> memref<100000x128xf32, #tpu.memory_space<hbm>>
      tpu.wait_indirect_dma semaphore(%arg15 : memref<!tpu.dma_semaphore, #tpu.memory_space<semaphore_mem>>) src(%dma_wait3A_172 : memref<100000x128xf32, #tpu.memory_space<hbm>>) dst(%arg10 : memref<128x128xf32, #tpu.memory_space<vmem>>)
      %parallel_loop3A_173 = arith.constant 0 : i32
      %parallel_loop3A_174 = arith.constant 128 : i32
      %parallel_loop3A_175 = arith.constant 1 : i32
      scf.for %parallel_loop3A_195 = %parallel_loop3A_173 to %parallel_loop3A_174 step %parallel_loop3A_175  : i32 {
        %parallel_loop3A_196 = arith.index_cast %parallel_loop3A_195 : i32 to index
        %parallel_loop3A_197 = arith.constant 0 : index
        %parallel_loop3A_198 = tpu.vector_load %arg10[%parallel_loop3A_196, %parallel_loop3A_197] {strides = array<i32>} : memref<128x128xf32, #tpu.memory_space<vmem>>, vector<1x16xf32>,
        %parallel_loop3A_199 = vector.shape_cast %parallel_loop3A_198 : vector<1x16xf32> to vector<16xf32>
        %parallel_loop3A_200 = arith.constant 11.3137083 : f32
        %parallel_loop3A_201 = vector.broadcast %parallel_loop3A_200 : f32 to vector<16xf32>
        %parallel_loop3A_202 = arith.mulf %parallel_loop3A_199, %parallel_loop3A_201 : vector<16xf32>
        %parallel_loop3A_203 = arith.index_cast %parallel_loop3A_195 : i32 to index
        %parallel_loop3A_204 = arith.constant 0 : index
        %parallel_loop3A_205 = tpu.vector_load %arg10[%parallel_loop3A_203, %parallel_loop3A_204] {strides = array<i32>} : memref<128x128xf32, #tpu.memory_space<vmem>>, vector<1x16xf32>,
        %parallel_loop3A_206 = vector.shape_cast %parallel_loop3A_205 : vector<1x16xf32> to vector<16xf32>
        %parallel_loop3A_207 = vector.shape_cast %parallel_loop3A_202 : vector<16xf32> to vector<1x16xf32>
        tpu.vector_store %arg10[%parallel_loop3A_203, %parallel_loop3A_204], %parallel_loop3A_207 {strides = array<i32>} : memref<128x128xf32, #tpu.memory_space<vmem>>, vector<1x16xf32>,
        %parallel_loop3A_208 = arith.index_cast %parallel_loop3A_195 : i32 to index
        %parallel_loop3A_209 = arith.constant 16 : index
        %parallel_loop3A_210 = tpu.vector_load %arg10[%parallel_loop3A_208, %parallel_loop3A_209] {strides = array<i32>} : memref<128x128xf32, #tpu.memory_space<vmem>>, vector<1x16xf32>,
        %parallel_loop3A_211 = vector.shape_cast %parallel_loop3A_210 : vector<1x16xf32> to vector<16xf32>
        %parallel_loop3A_212 = arith.constant 11.3137083 : f32
        %parallel_loop3A_213 = vector.broadcast %parallel_loop3A_212 : f32 to vector<16xf32>
        %parallel_loop3A_214 = arith.mulf %parallel_loop3A_211, %parallel_loop3A_213 : vector<16xf32>
        %parallel_loop3A_215 = arith.index_cast %parallel_loop3A_195 : i32 to index
        %parallel_loop3A_216 = arith.constant 16 : index
        %parallel_loop3A_217 = tpu.vector_load %arg10[%parallel_loop3A_215, %parallel_loop3A_216] {strides = array<i32>} : memref<128x128xf32, #tpu.memory_space<vmem>>, vector<1x16xf32>,
        %parallel_loop3A_218 = vector.shape_cast %parallel_loop3A_217 : vector<1x16xf32> to vector<16xf32>
        %parallel_loop3A_219 = vector.shape_cast %parallel_loop3A_214 : vector<16xf32> to vector<1x16xf32>
        tpu.vector_store %arg10[%parallel_loop3A_215, %parallel_loop3A_216], %parallel_loop3A_219 {strides = array<i32>} : memref<128x128xf32, #tpu.memory_space<vmem>>, vector<1x16xf32>,
        %parallel_loop3A_220 = arith.index_cast %parallel_loop3A_195 : i32 to index
        %parallel_loop3A_221 = arith.constant 32 : index
        %parallel_loop3A_222 = tpu.vector_load %arg10[%parallel_loop3A_220, %parallel_loop3A_221] {strides = array<i32>} : memref<128x128xf32, #tpu.memory_space<vmem>>, vector<1x16xf32>,
        %parallel_loop3A_223 = vector.shape_cast %parallel_loop3A_222 : vector<1x16xf32> to vector<16xf32>
        %parallel_loop3A_224 = arith.constant 11.3137083 : f32
        %parallel_loop3A_225 = vector.broadcast %parallel_loop3A_224 : f32 to vector<16xf32>
        %parallel_loop3A_226 = arith.mulf %parallel_loop3A_223, %parallel_loop3A_225 : vector<16xf32>
        %parallel_loop3A_227 = arith.index_cast %parallel_loop3A_195 : i32 to index
        %parallel_loop3A_228 = arith.constant 32 : index
        %parallel_loop3A_229 = tpu.vector_load %arg10[%parallel_loop3A_227, %parallel_loop3A_228] {strides = array<i32>} : memref<128x128xf32, #tpu.memory_space<vmem>>, vector<1x16xf32>,
        %parallel_loop3A_230 = vector.shape_cast %parallel_loop3A_229 : vector<1x16xf32> to vector<16xf32>
        %parallel_loop3A_231 = vector.shape_cast %parallel_loop3A_226 : vector<16xf32> to vector<1x16xf32>
        tpu.vector_store %arg10[%parallel_loop3A_227, %parallel_loop3A_228], %parallel_loop3A_231 {strides = array<i32>} : memref<128x128xf32, #tpu.memory_space<vmem>>, vector<1x16xf32>,
        %parallel_loop3A_232 = arith.index_cast %parallel_loop3A_195 : i32 to index
        %parallel_loop3A_233 = arith.constant 48 : index
        %parallel_loop3A_234 = tpu.vector_load %arg10[%parallel_loop3A_232, %parallel_loop3A_233] {strides = array<i32>} : memref<128x128xf32, #tpu.memory_space<vmem>>, vector<1x16xf32>,
        %parallel_loop3A_235 = vector.shape_cast %parallel_loop3A_234 : vector<1x16xf32> to vector<16xf32>
        %parallel_loop3A_236 = arith.constant 11.3137083 : f32
        %parallel_loop3A_237 = vector.broadcast %parallel_loop3A_236 : f32 to vector<16xf32>
        %parallel_loop3A_238 = arith.mulf %parallel_loop3A_235, %parallel_loop3A_237 : vector<16xf32>
        %parallel_loop3A_239 = arith.index_cast %parallel_loop3A_195 : i32 to index
        %parallel_loop3A_240 = arith.constant 48 : index
        %parallel_loop3A_241 = tpu.vector_load %arg10[%parallel_loop3A_239, %parallel_loop3A_240] {strides = array<i32>} : memref<128x128xf32, #tpu.memory_space<vmem>>, vector<1x16xf32>,
        %parallel_loop3A_242 = vector.shape_cast %parallel_loop3A_241 : vector<1x16xf32> to vector<16xf32>
        %parallel_loop3A_243 = vector.shape_cast %parallel_loop3A_238 : vector<16xf32> to vector<1x16xf32>
        tpu.vector_store %arg10[%parallel_loop3A_239, %parallel_loop3A_240], %parallel_loop3A_243 {strides = array<i32>} : memref<128x128xf32, #tpu.memory_space<vmem>>, vector<1x16xf32>,
        %parallel_loop3A_244 = arith.index_cast %parallel_loop3A_195 : i32 to index
        %parallel_loop3A_245 = arith.constant 64 : index
        %parallel_loop3A_246 = tpu.vector_load %arg10[%parallel_loop3A_244, %parallel_loop3A_245] {strides = array<i32>} : memref<128x128xf32, #tpu.memory_space<vmem>>, vector<1x16xf32>,
        %parallel_loop3A_247 = vector.shape_cast %parallel_loop3A_246 : vector<1x16xf32> to vector<16xf32>
        %parallel_loop3A_248 = arith.constant 11.3137083 : f32
        %parallel_loop3A_249 = vector.broadcast %parallel_loop3A_248 : f32 to vector<16xf32>
        %parallel_loop3A_250 = arith.mulf %parallel_loop3A_247, %parallel_loop3A_249 : vector<16xf32>
        %parallel_loop3A_251 = arith.index_cast %parallel_loop3A_195 : i32 to index
        %parallel_loop3A_252 = arith.constant 64 : index
        %parallel_loop3A_253 = tpu.vector_load %arg10[%parallel_loop3A_251, %parallel_loop3A_252] {strides = array<i32>} : memref<128x128xf32, #tpu.memory_space<vmem>>, vector<1x16xf32>,
        %parallel_loop3A_254 = vector.shape_cast %parallel_loop3A_253 : vector<1x16xf32> to vector<16xf32>
        %parallel_loop3A_255 = vector.shape_cast %parallel_loop3A_250 : vector<16xf32> to vector<1x16xf32>
        tpu.vector_store %arg10[%parallel_loop3A_251, %parallel_loop3A_252], %parallel_loop3A_255 {strides = array<i32>} : memref<128x128xf32, #tpu.memory_space<vmem>>, vector<1x16xf32>,
        %parallel_loop3A_256 = arith.index_cast %parallel_loop3A_195 : i32 to index
        %parallel_loop3A_257 = arith.constant 80 : index
        %parallel_loop3A_258 = tpu.vector_load %arg10[%parallel_loop3A_256, %parallel_loop3A_257] {strides = array<i32>} : memref<128x128xf32, #tpu.memory_space<vmem>>, vector<1x16xf32>,
        %parallel_loop3A_259 = vector.shape_cast %parallel_loop3A_258 : vector<1x16xf32> to vector<16xf32>
        %parallel_loop3A_260 = arith.constant 11.3137083 : f32
        %parallel_loop3A_261 = vector.broadcast %parallel_loop3A_260 : f32 to vector<16xf32>
        %parallel_loop3A_262 = arith.mulf %parallel_loop3A_259, %parallel_loop3A_261 : vector<16xf32>
        %parallel_loop3A_263 = arith.index_cast %parallel_loop3A_195 : i32 to index
        %parallel_loop3A_264 = arith.constant 80 : index
        %parallel_loop3A_265 = tpu.vector_load %arg10[%parallel_loop3A_263, %parallel_loop3A_264] {strides = array<i32>} : memref<128x128xf32, #tpu.memory_space<vmem>>, vector<1x16xf32>,
        %parallel_loop3A_266 = vector.shape_cast %parallel_loop3A_265 : vector<1x16xf32> to vector<16xf32>
        %parallel_loop3A_267 = vector.shape_cast %parallel_loop3A_262 : vector<16xf32> to vector<1x16xf32>
        tpu.vector_store %arg10[%parallel_loop3A_263, %parallel_loop3A_264], %parallel_loop3A_267 {strides = array<i32>} : memref<128x128xf32, #tpu.memory_space<vmem>>, vector<1x16xf32>,
        %parallel_loop3A_268 = arith.index_cast %parallel_loop3A_195 : i32 to index
        %parallel_loop3A_269 = arith.constant 96 : index
        %parallel_loop3A_270 = tpu.vector_load %arg10[%parallel_loop3A_268, %parallel_loop3A_269] {strides = array<i32>} : memref<128x128xf32, #tpu.memory_space<vmem>>, vector<1x16xf32>,
        %parallel_loop3A_271 = vector.shape_cast %parallel_loop3A_270 : vector<1x16xf32> to vector<16xf32>
        %parallel_loop3A_272 = arith.constant 11.3137083 : f32
        %parallel_loop3A_273 = vector.broadcast %parallel_loop3A_272 : f32 to vector<16xf32>
        %parallel_loop3A_274 = arith.mulf %parallel_loop3A_271, %parallel_loop3A_273 : vector<16xf32>
        %parallel_loop3A_275 = arith.index_cast %parallel_loop3A_195 : i32 to index
        %parallel_loop3A_276 = arith.constant 96 : index
        %parallel_loop3A_277 = tpu.vector_load %arg10[%parallel_loop3A_275, %parallel_loop3A_276] {strides = array<i32>} : memref<128x128xf32, #tpu.memory_space<vmem>>, vector<1x16xf32>,
        %parallel_loop3A_278 = vector.shape_cast %parallel_loop3A_277 : vector<1x16xf32> to vector<16xf32>
        %parallel_loop3A_279 = vector.shape_cast %parallel_loop3A_274 : vector<16xf32> to vector<1x16xf32>
        tpu.vector_store %arg10[%parallel_loop3A_275, %parallel_loop3A_276], %parallel_loop3A_279 {strides = array<i32>} : memref<128x128xf32, #tpu.memory_space<vmem>>, vector<1x16xf32>,
        %parallel_loop3A_280 = arith.index_cast %parallel_loop3A_195 : i32 to index
        %parallel_loop3A_281 = arith.constant 112 : index
        %parallel_loop3A_282 = tpu.vector_load %arg10[%parallel_loop3A_280, %parallel_loop3A_281] {strides = array<i32>} : memref<128x128xf32, #tpu.memory_space<vmem>>, vector<1x16xf32>,
        %parallel_loop3A_283 = vector.shape_cast %parallel_loop3A_282 : vector<1x16xf32> to vector<16xf32>
        %parallel_loop3A_284 = arith.constant 11.3137083 : f32
        %parallel_loop3A_285 = vector.broadcast %parallel_loop3A_284 : f32 to vector<16xf32>
        %parallel_loop3A_286 = arith.mulf %parallel_loop3A_283, %parallel_loop3A_285 : vector<16xf32>
        %parallel_loop3A_287 = arith.index_cast %parallel_loop3A_195 : i32 to index
        %parallel_loop3A_288 = arith.constant 112 : index
        %parallel_loop3A_289 = tpu.vector_load %arg10[%parallel_loop3A_287, %parallel_loop3A_288] {strides = array<i32>} : memref<128x128xf32, #tpu.memory_space<vmem>>, vector<1x16xf32>,
        %parallel_loop3A_290 = vector.shape_cast %parallel_loop3A_289 : vector<1x16xf32> to vector<16xf32>
        %parallel_loop3A_291 = vector.shape_cast %parallel_loop3A_286 : vector<16xf32> to vector<1x16xf32>
        tpu.vector_store %arg10[%parallel_loop3A_287, %parallel_loop3A_288], %parallel_loop3A_291 {strides = array<i32>} : memref<128x128xf32, #tpu.memory_space<vmem>>, vector<1x16xf32>,
      } {sc.loop_unroll_factor = 4 : i64, sc.parallel_access}
      %mul3A_176 = arith.constant 128 : i32
      %mul3A_177 = arith.muli %add3A_166, %mul3A_176 : i32
      %add3A_178 = arith.addi %mul3A_2, %mul3A_177 : i32
      %dma_start3A_179 = arith.constant 0 : i32
      %dma_start3A_180 = tpu.memref_slice %arg4[%add3A_178, %dma_start3A_179] : memref<819200x128xf32, #tpu.memory_space<hbm>> -> memref<128x128xf32, #tpu.memory_space<hbm>>
      %dma_start3A_181 = arith.constant 0 : i32
      %dma_start3A_182 = tpu.memref_slice %arg4[%add3A_178, %dma_start3A_181] : memref<819200x128xf32, #tpu.memory_space<hbm>> -> memref<128x128xf32, #tpu.memory_space<hbm>>
      tpu.enqueue_dma source(%arg10 : memref<128x128xf32, #tpu.memory_space<vmem>>) target(%dma_start3A_182 : memref<128x128xf32, #tpu.memory_space<hbm>>) target_semaphore(%arg20 : memref<!tpu.dma_semaphore, #tpu.memory_space<semaphore_mem>>)
      %ge3A_183 = arith.constant 2 : i32
      %ge3A_184 = arith.cmpi sge, %add3A_166, %ge3A_183 : i32
      %convert_element_type3A_185 = arith.extui %ge3A_184 : i1 to i32
      %cond3A_186 = arith.constant 0 : i32
      %cond3A_187 = arith.cmpi ne, %convert_element_type3A_185, %cond3A_186 : i32
      scf.if %cond3A_187 {
        %sub3A = arith.constant 2 : i32
        %sub3A_195 = arith.subi %add3A_166, %sub3A : i32
        %mul3A_196 = arith.constant 128 : i32
        %mul3A_197 = arith.muli %sub3A_195, %mul3A_196 : i32
        %add3A_198 = arith.addi %mul3A_2, %mul3A_197 : i32
        %dma_wait3A_199 = arith.constant 0 : i32
        %dma_wait3A_200 = tpu.memref_slice %arg4[%add3A_198, %dma_wait3A_199] : memref<819200x128xf32, #tpu.memory_space<hbm>> -> memref<128x128xf32, #tpu.memory_space<hbm>>
        %dma_wait3A_201 = arith.constant 0 : i32
        %dma_wait3A_202 = tpu.memref_slice %arg4[%add3A_198, %dma_wait3A_201] : memref<819200x128xf32, #tpu.memory_space<hbm>> -> memref<128x128xf32, #tpu.memory_space<hbm>>
        tpu.wait_dma2 semaphore(%arg18 : memref<!tpu.dma_semaphore, #tpu.memory_space<semaphore_mem>>) src(%arg8 : memref<128x128xf32, #tpu.memory_space<vmem>>) dst(%dma_wait3A_202 : memref<128x128xf32, #tpu.memory_space<hbm>>)
      } else {
      }
      %add3A_188 = arith.constant 3 : i32
      %add3A_189 = arith.addi %add3A_166, %add3A_188 : i32
      %lt3A_190 = arith.constant 200 : i32
      %lt3A_191 = arith.cmpi slt, %add3A_189, %lt3A_190 : i32
      %convert_element_type3A_192 = arith.extui %lt3A_191 : i1 to i32
      %cond3A_193 = arith.constant 0 : i32
      %cond3A_194 = arith.cmpi ne, %convert_element_type3A_192, %cond3A_193 : i32
      scf.if %cond3A_194 {
        %add3A_195 = arith.constant 3 : i32
        %add3A_196 = arith.addi %add3A_166, %add3A_195 : i32
        %dma_start3A_197 = arith.constant 0 : i32
        %dma_start3A_198 = tpu.memref_slice %arg5[%add3A_196, %dma_start3A_197] : memref<200x128xi32, #tpu.memory_space<vmem>> -> memref<1x128xi32, #tpu.memory_space<vmem>>
        %dma_start3A_199 = tpu.memref_squeeze %dma_start3A_198 : memref<1x128xi32, #tpu.memory_space<vmem>> -> memref<128xi32, #tpu.memory_space<vmem>>
        %dma_start3A_200 = arith.constant 0 : i32
        %dma_start3A_201 = arith.constant 0 : i32
        %dma_start3A_202 = tpu.memref_slice %arg3[%dma_start3A_200, %dma_start3A_201] : memref<100000x128xf32, #tpu.memory_space<hbm>> -> memref<100000x128xf32, #tpu.memory_space<hbm>>
        tpu.enqueue_indirect_dma source(%dma_start3A_202 : memref<100000x128xf32, #tpu.memory_space<hbm>>) target(%arg8 : memref<128x128xf32, #tpu.memory_space<vmem>>) offsets(%dma_start3A_199 : memref<128xi32, #tpu.memory_space<vmem>>) semaphore(%arg13 : memref<!tpu.dma_semaphore, #tpu.memory_space<semaphore_mem>>)
      } else {
      }
    }
    %scan3A_27 = arith.constant 40 : i32
    %add3A_28 = arith.constant 25344 : i32
    %add3A_29 = arith.addi %mul3A_2, %add3A_28 : i32
    %dma_wait3A = arith.constant 0 : i32
    %dma_wait3A_30 = tpu.memref_slice %arg4[%add3A_29, %dma_wait3A] : memref<819200x128xf32, #tpu.memory_space<hbm>> -> memref<128x128xf32, #tpu.memory_space<hbm>>
    %dma_wait3A_31 = arith.constant 0 : i32
    %dma_wait3A_32 = tpu.memref_slice %arg4[%add3A_29, %dma_wait3A_31] : memref<819200x128xf32, #tpu.memory_space<hbm>> -> memref<128x128xf32, #tpu.memory_space<hbm>>
    tpu.wait_dma2 semaphore(%arg19 : memref<!tpu.dma_semaphore, #tpu.memory_space<semaphore_mem>>) src(%arg9 : memref<128x128xf32, #tpu.memory_space<vmem>>) dst(%dma_wait3A_32 : memref<128x128xf32, #tpu.memory_space<hbm>>)
    %add3A_33 = arith.constant 25472 : i32
    %add3A_34 = arith.addi %mul3A_2, %add3A_33 : i32
    %dma_wait3A_35 = arith.constant 0 : i32
    %dma_wait3A_36 = tpu.memref_slice %arg4[%add3A_34, %dma_wait3A_35] : memref<819200x128xf32, #tpu.memory_space<hbm>> -> memref<128x128xf32, #tpu.memory_space<hbm>>
    %dma_wait3A_37 = arith.constant 0 : i32
    %dma_wait3A_38 = tpu.memref_slice %arg4[%add3A_34, %dma_wait3A_37] : memref<819200x128xf32, #tpu.memory_space<hbm>> -> memref<128x128xf32, #tpu.memory_space<hbm>>
    tpu.wait_dma2 semaphore(%arg20 : memref<!tpu.dma_semaphore, #tpu.memory_space<semaphore_mem>>) src(%arg10 : memref<128x128xf32, #tpu.memory_space<vmem>>) dst(%dma_wait3A_38 : memref<128x128xf32, #tpu.memory_space<hbm>>)
    return
  }
}

</mosaic_0001>

<sc_bundles>
// kernel: kernel.3.cloned.1.call-start
scs
__scs_entry_jumppad:
0x0: {  	(pc) =	sbr.rel $0x88, $3  }
0x1: {  	(tag) =	ssettag $0x0;
	lr =	simm.s32 $0x1  }
0x2: {  	[smem:$0x3F9F] =	sst lr;
	_ =	strace $0xD0000000  }
0x3: {  	_ = 	snop  }
0x4: {  	_ = 	snop  }
0x5: {  	_ = 	snop  }
0x6: {  	_ = 	snop  }
0x7: {  	_ = 	snop  }
__scs_overlays_trampoline_lowered:
0x8: {  	[smem:$0x3FAE] =	sst s0  }
0x9: {  	[smem:$0x3FAF] =	sst s1  }
0xa: {  	[smem:$0x3FB0] =	sst s2  }
0xb: {  	[smem:$0x3FB1] =	sst s3  }
0xc: {  	[smem:$0x3FB2] =	sst s4  }
0xd: {  	[smem:$0x3FB3] =	sst s5  }
0xe: {  	[smem:$0x3FB4] =	sst s6  }
0xf: {  	[smem:$0x3FB5] =	sst s7  }
0x10: {  	[smem:$0x3FB6] =	sst s8  }
0x11: {  	[smem:$0x3FB7] =	sst s9;
	s0 =	simm.s32 @!p0 $0x0  }
0x12: {  	s1 =	sld [smem:$0x3F9D];
	s0 =	simm.s32 @p0 $0x1  }
0x13: {  	[smem:$0x3FB8] =	sst s0;
	s0 =	simm.s32 @!p1 $0x0  }
0x14: {  	s2 =	sld [smem:$0x3F9C];
	s0 =	simm.s32 @p1 $0x1  }
0x15: {  	[smem:$0x3FB9] =	sst s0;
	s0 =	simm.s32 @!p2 $0x0  }
0x16: {  	s3 =	sld [smem:$0x3FDB];
	s0 =	simm.s32 @p2 $0x1  }
0x17: {  	s4 =	simm.s32 $0x1BF5;
	[smem:$0x3FBB] =	sst s0  }
0x18: {  	s0 =	sld [smem:$0x3F9E];
	_ =	swait.ge [sflag:s4], $0x0  }
0x19: {  	s7 =	sld [smem:$0x3F9F]  }
0x1a: {  	s8 =	sadd.s32 $0xFFFFE003, lr  }
0x1b: {  	s9 =	sadd.s32 $0xFFFFFEF7, lr;
	s5 =	simm.s32 $0xFFFFFFFF;
	p2 =	slt.u32 s8, $0xFFFFF086  }
0x1c: {  	p1 =	slt.u32 s9, $0xF7A;
	s5 =	simm.s32 @!p2 $0x0  }
0x1d: {  	s5 =	simm.s32 @p1 $0x1;
	p0 =	seq.s32 s7, s2  }
0x1e: {  	s7 =	smul.u32 @!p0 $0xF7A, s2;
	p2 =	seq.s32 @!p0 s5, $0x0  }
0x1f: {  	s9 =	smul.u32 $0xF7A, s1;
	s8 =	simm.s32 @!p0 $0x1BF5;
	p2 =	por !p2, p0  }
0x20: {  	[sflag:s8] =	ssyncset.s32 @!p0 $0xFFFFF086;
	s6 =	sadd.s32 @!p0 s3, s7;
	s7 =	simm.s32 @!p0 $0x108  }
0x21: {  	s3 =	sadd.s32 s3, s9;
	s6 =	sadd.s32 @!p0 $0x88, s6;
	s7 =	simm.s32 @p2 $0x1082  }
0x22: {  	[simem:s7], [sflag:s8] =	dma.local @!p0 [hbm:s6], $0xF7A  }
0x23: {  	s9 =	sor.u32 $0xD0000000, s2;
	s6 =	simm.s32 $0x108;
	_ =	swait.ge @!p0 [sflag:s8], $0x0  }
0x24: {  	s3 =	sadd.s32 $0x88, s3;
	s6 =	simm.s32 @!p1 $0x1082;
	[sflag:s4] =	ssyncset.s32 $0xFFFFF086  }
0x25: {  	[simem:s6], [sflag:s4] =	dma.local [hbm:s3], $0xF7A  }
0x26: {  	[smem:$0x3F9F] =	sst s1;
	(tag) =	ssettag s2;
	_ =	strace s9  }
0x27: {  	s1 =	sld [smem:$0x3FAF]  }
0x28: {  	s2 =	sld [smem:$0x3FB0]  }
0x29: {  	s4 =	sld [smem:$0x3FB2]  }
0x2a: {  	p0 =	seq.s32 s5, $0x0;
	s5 =	sld [smem:$0x3FB3]  }
0x2b: {  	s6 =	sld [smem:$0x3FB4]  }
0x2c: {  	s7 =	sld [smem:$0x3FB5]  }
0x2d: {  	s3 =	simm.s32 $0x108;
	s8 =	sld [smem:$0x3FB6]  }
0x2e: {  	s3 =	simm.s32 @!p0 $0x1082;
	s9 =	sld [smem:$0x3FB7]  }
0x2f: {  	lr =	sadd.s32 s0, s3;
	s0 =	sld [smem:$0x3FAE]  }
0x30: {  	s3 =	sld [smem:$0x3FB1]  }
0x31: {  	[smem:$0x3FBA] =	sst s10  }
0x32: {  	s10 =	sld [smem:$0x3FB8];
	_ =	sdelay $0x3  }
0x33: {  	p0 =	seq.s32 s10, $0x1;
	s10 =	sld [smem:$0x3FBA];
	_ =	sdelay $0x3  }
0x34: {  	[smem:$0x3FBA] =	sst s10  }
0x35: {  	s10 =	sld [smem:$0x3FB9];
	_ =	sdelay $0x3  }
0x36: {  	p1 =	seq.s32 s10, $0x1;
	s10 =	sld [smem:$0x3FBA];
	_ =	sdelay $0x3  }
0x37: {  	[smem:$0x3FBA] =	sst s10  }
0x38: {  	s10 =	sld [smem:$0x3FBB]  }
0x39: {  	_ = 	snop;
	(pc) =	sbr.ind lr, $3  }
0x3a: {  	_ = 	snop  }
0x3b: {  	_ = 	snop  }
0x3c: {  	p2 =	seq.s32 s10, $0x1;
	s10 =	sld [smem:$0x3FBA]  }
0x3d: {  	_ =	shalt  }
0x3e: {  	_ =	shalt  }
0x3f: {  	_ =	shalt  }
0x40: {  	_ =	shalt  }
0x41: {  	_ =	shalt  }
0x42: {  	_ =	shalt  }
0x43: {  	_ =	shalt  }
0x44: {  	_ =	shalt  }
0x45: {  	_ =	shalt  }
0x46: {  	_ =	shalt  }
0x47: {  	_ =	shalt  }
0x48: {  	_ =	shalt  }
0x49: {  	_ =	shalt  }
0x4a: {  	_ =	shalt  }
0x4b: {  	_ =	shalt  }
0x4c: {  	_ =	shalt  }
0x4d: {  	_ =	shalt  }
0x4e: {  	_ =	shalt  }
0x4f: {  	_ =	shalt  }
0x50: {  	_ =	shalt  }
0x51: {  	_ =	shalt  }
0x52: {  	_ =	shalt  }
0x53: {  	_ =	shalt  }
0x54: {  	_ =	shalt  }
0x55: {  	_ =	shalt  }
0x56: {  	_ =	shalt  }
0x57: {  	_ =	shalt  }
0x58: {  	_ =	shalt  }
0x59: {  	_ =	shalt  }
0x5a: {  	_ =	shalt  }
0x5b: {  	_ =	shalt  }
0x5c: {  	_ =	shalt  }
0x5d: {  	_ =	shalt  }
0x5e: {  	_ =	shalt  }
0x5f: {  	_ =	shalt  }
0x60: {  	_ =	shalt  }
0x61: {  	_ =	shalt  }
0x62: {  	_ =	shalt  }
0x63: {  	_ =	shalt  }
0x64: {  	_ =	shalt  }
0x65: {  	_ =	shalt  }
0x66: {  	_ =	shalt  }
0x67: {  	_ =	shalt  }
0x68: {  	_ =	shalt  }
0x69: {  	_ =	shalt  }
0x6a: {  	_ =	shalt  }
0x6b: {  	_ =	shalt  }
0x6c: {  	_ =	shalt  }
0x6d: {  	_ =	shalt  }
0x6e: {  	_ =	shalt  }
0x6f: {  	_ =	shalt  }
0x70: {  	_ =	shalt  }
0x71: {  	_ =	shalt  }
0x72: {  	_ =	shalt  }
0x73: {  	_ =	shalt  }
0x74: {  	_ =	shalt  }
0x75: {  	_ =	shalt  }
0x76: {  	_ =	shalt  }
0x77: {  	_ =	shalt  }
0x78: {  	_ =	shalt  }
0x79: {  	_ =	shalt  }
0x7a: {  	_ =	shalt  }
0x7b: {  	_ =	shalt  }
0x7c: {  	_ =	shalt  }
0x7d: {  	_ =	shalt  }
0x7e: {  	_ =	shalt  }
0x7f: {  	_ =	shalt  }
0x80: {  	_ =	shalt  }
0x81: {  	_ =	shalt  }
0x82: {  	_ =	shalt  }
0x83: {  	_ =	shalt  }
0x84: {  	_ =	shalt  }
0x85: {  	_ =	shalt  }
0x86: {  	_ =	shalt  }
0x87: {  	_ =	shalt  }
.Lfunc_end0:
.L_simem_size_0:
called_computation_lowered:
.L_overlay_start_0:
0x88: {  	s2 =	sld [smem:$0x3FD9]  }
0x89: {  	s3 =	sld [smem:$0x3FFE];
	_ =	sdelay $0x1  }
0x8a: {  	s1 =	srdreg.scid  }
0x8b: {  	s0 =	sand.u32 $0x1, s1  }
0x8c: {  	s17 =	sshll.u32 s0, $0xA;
	s2 =	sadd.s32 s3, s2  }
0x8d: {  	s2 =	sadd.s32 s2, s17  }
0x8e: {  	[smem:$0x3FC6] =	sst s2  }
0x8f: {  	_ = 	snop  }
0x90: {  	s2 =	sld [smem:$0x3FC8]  }
0x91: {  	s18 =	sld [smem:$0x3FD0];
	(tm) =	ssettm $0x1  }
0x92: {  	s4 =	sld [smem:$0x3FFB];
	_ =	sdelay $0x3  }
0x93: {  	_ =	strace s4  }
0x94: {  	s4 =	sld [smem:$0x3FFC];
	_ =	sdelay $0x3  }
0x95: {  	_ =	strace s4  }
0x96: {  	s4 =	sld [smem:$0x3FFD];
	_ =	sdelay $0x3  }
0x97: {  	_ =	strace s4  }
0x98: {  	_ =	strace $0x8FFFFFFF  }
0x99: {  	s19 =	sld [smem:$0x3FDB];
	_ =	sdelay $0x1  }
0x9a: {  	s5 =	simm.s32 $_scs_section_size  }
0x9b: {  	s6 =	simm.s32 $_size__tile_overlayer_lowered;
	s7 =	simm.s32 $_tile_overlayer_lowered  }
0x9c: {  	s22 =	simm.s32 $0x1BFF;
	s21 =	sshll.u32 s7, $0x1;
	s4 =	sadd.s32 s5, s19  }
0x9d: {  	s8 =	simm.s32 $0x0;
	s20 =	sshll.u32 s6, $0x1;
	s6 =	sadd.s32 s21, s4  }
0x9e: {  	[timem:s8], [sflag:s22] =	dma.local [hbm:s6], s20  }
0x9f: {  	_ =	swait.ge [sflag:s22], s20  }
0xa0: {  	s5 =	ssub.s32 $0x0, s20;
	[sflag:s22] =	ssyncset.done $0x0  }
0xa1: {  	[sflag:s22] =	ssyncadd.s32 s5;
	_ =	sdelay $0x1  }
0xa2: {  	s23 =	simm.s32 $0x1B8B  }
0xa3: {  	_ =	swait.ge [sflag:s23], $0x1  }
0xa4: {  	[sflag:s23] =	ssyncset.done $0x0  }
0xa5: {  	s25 =	simm.s32 $0x1B8E;
	s24 =	sld [smem:$0x3FFE];
	[sflag:s23] =	ssyncadd.s32 $0xFFFFFFFF  }
0xa6: {  	s26 =	simm.s32 $execute0_lowered;
	[smem:$0x3FD2] =	sst s25  }
0xa7: {  	s6 =	sshll.u32 s26, $0x1;
	_ =	strace $0x80000046;
	[dreg:$0x1] =	wrdreg $0xFFFFFFFF  }
0xa8: {  	s28 =	simm.s32 $_size_execute0_lowered;
	s4 =	sadd.s32 s4, s6;
	[dreg:$0x0] =	wrdreg $0x0  }
0xa9: {  	s6 =	sshll.u32 s28, $0x1;
	[dreg:$0x2] =	wrdreg s4  }
0xaa: {  	[dreg:$0x3] =	wrdreg s6  }
0xab: {  	[dreg:$0x4] =	wrdreg $0xC0  }
0xac: {  	_ =	task [dreg:s8], $0x5FFFF  }
0xad: {  	[dreg:$0x1] =	wrdreg $0xFFFFFFFF  }
0xae: {  	[dreg:$0x0] =	wrdreg $0x60  }
0xaf: {  	[dreg:$0x2] =	wrdreg s24  }
0xb0: {  	[dreg:$0x3] =	wrdreg s2  }
0xb1: {  	[dreg:$0x4] =	wrdreg s18  }
0xb2: {  	[dreg:$0x5] =	wrdreg $0x9  }
0xb3: {  	_ =	task.clear_ibuf [dreg:s8], $0x6FFFF;
	_ =	strace $0x90000046  }
0xb4: {  	s29 =	simm.s32 $0x9;
	_ =	strace $0x80000048  }
0xb5: {  	_ =	swait.ge [sflag:s29], $0x1  }
0xb6: {  	[sflag:s29] =	ssyncadd.s32 $0xFFFFFFFF  }
0xb7: {  	_ =	strace $0x90000048  }
0xb8: {  	_ =	sfence  }
0xb9: {  	s30 =	sld [smem:$0x0];
	_ =	sdelay $0x2  }
0xba: {  	s31 =	sshll.u32 s1, $0xD;
	s1 =	sshrl.u32 s1, $0x2  }
0xbb: {  	s3 =	sand.u32 $0x4000, s31;
	s1 =	sadd.s32 s1, s30  }
0xbc: {  	s0 =	sor.u32 s3, s0;
	s1 =	sshll.u32 s1, $0x11  }
0xbd: {  	s0 =	sor.u32 s1, s0  }
0xbe: {  	s0 =	sadd.s32 $0x8F2B, s0  }
0xbf: {  	[sflag:s0] =	ssyncadd.remote.s32 $0x1  }
0xc0: {  	_ =	sfence.sel $0xFFFF  }
0xc1: {  	[dreg:$0x0] =	wrdreg $0xFFFFFFFF;
	(pc) =	sbr.abs _section_cstart, $3  }
0xc2: {  	[dreg:$0x1] =	wrdreg $0xFFFFFFFF  }
0xc3: {  	_ =	task.clear_ibuf [dreg:s8], $0x2FFFF;
	_ =	strace $0x9FFFFFFF  }
0xc4: {  	(tm) =	ssettm $0x7FFFFFFF  }
0xc5: {  	_ =	shalt  }
tec
execute0_lowered:
.L_overlay_start_1:
0x0: {  	(tag) =	ssettag $0x1  }
0x1: {  	s0 =	rddreg [dreg:$0x0]  }
0x2: {  	s1 =	srdreg.scid;
	s3 =	stileid.u32  }
0x3: {  	s2 =	rddreg [dreg:$0x1];
	s12 =	simm.s32 $0x80;
	s13 =	simm.s32 $0x6400  }
0x4: {  	s14 =	simm.s32 $0xA400;
	s16 =	simm.s32 $0xE400;
	s17 =	simm.s32 $0x1  }
0x5: {  	s18 =	simm.s32 $0x12400;
	s19 =	simm.s32 $0x2;
	s20 =	simm.s32 $0x16400  }
0x6: {  	s21 =	simm.s32 $0x3;
	s22 =	simm.s32 $0x6;
	s23 =	simm.s32 $0x4  }
0x7: {  	s24 =	simm.s32 $0x7;
	s25 =	simm.s32 $0x5;
	s28 =	simm.s32 $0x9  }
0x8: {  	s29 =	simm.s32 $0xA;
	s1 =	sand.u32 $0x1, s1;
	s4 =	sshll.u32 s3, $0x1  }
0x9: {  	s30 =	simm.s32 $0x0;
	s3 =	rddreg [dreg:$0x2];
	s6 =	sor.u32 s1, s4  }
0xa: {  	s4 =	simm.s32 $0x0;
	s1 =	ssub.s32 $0x2, s1;
	s5 =	smul.u32 $0x6400, s6  }
.Ltmp0:
0xb: {  	[smem:$0x7FF] =	sst s4;
	s26 =	sshrl.u32 s1, $0x1;
	(pc) =	sbr.rel .LBB2_1-.Ltmp0, $4  }
0xc: {  	s6 =	smul.u32 $0x320000, s6;
	s1 =	ssub.s32 s1, s26;
	s7 =	sshrl.u32 s5, $0x3  }
0xd: {  	_ =	strace $0x80000047;
	s31 =	smax.u32 s1, $0x1;
	s0 =	sadd.s32 s7, s0  }
0xe: {  	s26 =	simm.s32 $0x8;
	[dreg:$0x5] =	wrdreg s31;
	s0 =	sadd.s32 $0x400, s0  }
0xf: {  	s8 =	sor.u32 $0x4000, s6;
	s9 =	sor.u32 $0x8000, s6;
	[dreg:$0x4] =	wrdreg s0  }
.LBB2_14:
0x10: {  	_ =	swait.ge [sflag:s28], $0x4000  }
0x11: {  	[sflag:s28] =	ssyncset.done $0x0  }
0x12: {  	[sflag:s28] =	ssyncadd.s32 $0xFFFFC000  }
0x13: {  	_ =	swait.ge [sflag:s29], $0x4000  }
0x14: {  	s30 =	sadd.s32 $0x1, s30;
	s0 =	rddreg [dreg:$0x5]  }
0x15: {  	p0 =	sne.s32 s30, s0  }
.Ltmp1:
0x16: {  	_ = 	snop;
	(pc) =	sbr.rel @!p0 .LBB2_15-.Ltmp1, $3  }
0x17: {  	_ =	sdelay $0x1  }
0x18: {  	[sflag:s29] =	ssyncset.done $0x0  }
0x19: {  	[sflag:s29] =	ssyncadd.s32 $0xFFFFC000  }
.LBB2_1:
0x1a: {  	s0 =	rddreg [dreg:$0x4];
	s11 =	simm.s32 $0xB  }
0x1b: {  	[tilespmem:s4], [sflag:$0xB] =	stream.linear.gather [hbm4b:s0+s4], $0x6400, $0x38;
	[tilespmem:$0x1A400] =	vst v63  }
0x1c: {  	_ =	swait.ge [sflag:s11], $0x6400  }
0x1d: {  	[sflag:s11] =	ssyncset.done $0x0  }
0x1e: {  	[sflag:s11] =	ssyncadd.s32 $0xFFFF9C00  }
0x1f: {  	[tilespmem:s13], [sflag:$0x1] =	stream.indirect.gather [hbm4b:s2+s12], $0x80, s4, s12, $0xb8;
	[tilespmem:$0x1A400] =	vst v63  }
0x20: {  	_ = 	snop  }
0x21: {  	[tilespmem:s14], [sflag:$0x2] =	stream.indirect.gather [hbm4b:s2+s12], $0x80, s12, s12, $0xb8;
	[tilespmem:$0x1A400] =	vst v63  }
0x22: {  	s15 =	simm.s32 $0x100;
	s31 =	simm.s32 $0x0  }
0x23: {  	[tilespmem:s16], [sflag:$0x3] =	stream.indirect.gather [hbm4b:s2+s12], $0x80, s15, s12, $0xb8;
	[tilespmem:$0x1A400] =	vst v63  }
.LBB2_2:
0x24: {  	_ =	swait.ge [sflag:s17], $0x4000  }
0x25: {  	[sflag:s17] =	ssyncset.done $0x0  }
0x26: {  	s0 =	simm.s32 $0x6500;
	[sflag:s17] =	ssyncadd.s32 $0xFFFFC000  }
0x27: {  	v0 =	vld [tilespmem:s0+$0xF0]  }
0x28: {  	v1 =	vld [tilespmem:s0+$0xFFFFFF10]  }
0x29: {  	v2 =	vld [tilespmem:s0+$0xFFFFFF20]  }
0x2a: {  	v3 =	vld [tilespmem:s0+$0xFFFFFF30]  }
0x2b: {  	v6 =	vld [tilespmem:s0+$0xFFFFFF60]  }
0x2c: {  	v4 =	vld [tilespmem:s0+$0xFFFFFF40]  }
0x2d: {  	v5 =	vld [tilespmem:s0+$0xFFFFFF50];
	v0 =	vmul.f32 $1.131370830e+01, v0  }
0x2e: {  	v8 =	vld [tilespmem:s0+$0xFFFFFF80];
	v1 =	vmul.f32 $1.131370830e+01, v1  }
0x2f: {  	v7 =	vld [tilespmem:s0+$0xFFFFFF70];
	v2 =	vmul.f32 $1.131370830e+01, v2;
	[tilespmem:s0+$0xF0] =	vst v0  }
0x30: {  	v6 =	vmul.f32 $1.131370830e+01, v6;
	v0 =	vld [tilespmem:s0+$0xFFFFFF90];
	[tilespmem:s0+$0xFFFFFF10] =	vst v1  }
0x31: {  	v1 =	vmul.f32 $1.131370830e+01, v3;
	v3 =	vld [tilespmem:s0+$0xFFFFFFA0];
	[tilespmem:s0+$0xFFFFFF20] =	vst v2;
	v2 =	vmul.f32 $1.131370830e+01, v4  }
0x32: {  	[tilespmem:s0+$0xFFFFFF60] =	vst v6;
	v6 =	vld [tilespmem:s0+$0xFFFFFFF0]  }
0x33: {  	v4 =	vld [tilespmem:s0+$0xFFFFFFB0];
	[tilespmem:s0+$0xFFFFFF40] =	vst v2;
	v2 =	vmul.f32 $1.131370830e+01, v8  }
0x34: {  	[tilespmem:s0+$0xFFFFFF30] =	vst v1;
	v1 =	vmul.f32 $1.131370830e+01, v5;
	v5 =	vld [tilespmem:s0+$0xFFFFFFC0]  }
0x35: {  	v8 =	vld [tilespmem:s0+$0xFFFFFFD0];
	[tilespmem:s0+$0xFFFFFF80] =	vst v2;
	v2 =	vmul.f32 $1.131370830e+01, v7  }
0x36: {  	[tilespmem:s0+$0xFFFFFF50] =	vst v1;
	v1 =	vld [tilespmem:s0+$0xFFFFFFE0];
	v0 =	vmul.f32 $1.131370830e+01, v0  }
0x37: {  	v7 =	vld [tilespmem:s0+$0x30];
	v6 =	vmul.f32 $1.131370830e+01, v6;
	[tilespmem:s0+$0xFFFFFF70] =	vst v2  }
0x38: {  	v2 =	vmul.f32 $1.131370830e+01, v3;
	v3 =	vld [tilespmem:s0+$0x0];
	[tilespmem:s0+$0xFFFFFF90] =	vst v0  }
0x39: {  	v0 =	vmul.f32 $1.131370830e+01, v4;
	v4 =	vld [tilespmem:s0+$0x10];
	[tilespmem:s0+$0xFFFFFFF0] =	vst v6  }
0x3a: {  	[tilespmem:s0+$0xFFFFFFA0] =	vst v2;
	v2 =	vmul.f32 $1.131370830e+01, v5;
	v5 =	vld [tilespmem:s0+$0x20]  }
0x3b: {  	v6 =	vld [tilespmem:s0+$0x80];
	[tilespmem:s0+$0xFFFFFFB0] =	vst v0;
	v0 =	vmul.f32 $1.131370830e+01, v8  }
0x3c: {  	v1 =	vmul.f32 $1.131370830e+01, v1;
	[tilespmem:s0+$0xFFFFFFC0] =	vst v2;
	v2 =	vld [tilespmem:s0+$0x40]  }
0x3d: {  	[tilespmem:s0+$0xFFFFFFD0] =	vst v0;
	v0 =	vmul.f32 $1.131370830e+01, v3;
	v3 =	vld [tilespmem:s0+$0x50]  }
0x3e: {  	[tilespmem:s0+$0xFFFFFFE0] =	vst v1;
	v1 =	vld [tilespmem:s0+$0x60];
	v4 =	vmul.f32 $1.131370830e+01, v4  }
0x3f: {  	[tilespmem:s0+$0x0] =	vst v0;
	v0 =	vmul.f32 $1.131370830e+01, v5;
	v5 =	vld [tilespmem:s0+$0x70]  }
0x40: {  	v6 =	vmul.f32 $1.131370830e+01, v6;
	[tilespmem:s0+$0x10] =	vst v4  }
0x41: {  	v4 =	vmul.f32 $1.131370830e+01, v7;
	v7 =	vld [tilespmem:s0+$0x90];
	[tilespmem:s0+$0x20] =	vst v0;
	v0 =	vmul.f32 $1.131370830e+01, v2  }
0x42: {  	v8 =	vld [tilespmem:s0+$0xA0];
	[tilespmem:s0+$0x80] =	vst v6;
	v2 =	vmul.f32 $1.131370830e+01, v3  }
0x43: {  	v3 =	vmul.f32 $1.131370830e+01, v1;
	[tilespmem:s0+$0x40] =	vst v0;
	v0 =	vld [tilespmem:s0+$0xB0]  }
0x44: {  	v1 =	vld [tilespmem:s0+$0xC0];
	[tilespmem:s0+$0x50] =	vst v2;
	v2 =	vmul.f32 $1.131370830e+01, v5  }
0x45: {  	[tilespmem:s0+$0x60] =	vst v3;
	v3 =	vld [tilespmem:s0+$0xD0]  }
0x46: {  	v5 =	vmul.f32 $1.131370830e+01, v7;
	[tilespmem:s0+$0x70] =	vst v2;
	v2 =	vld [tilespmem:s0+$0xE0]  }
0x47: {  	s1 =	simm.s32 $0x0;
	s7 =	simm.s32 $0x6700;
	v6 =	vmul.f32 $1.131370830e+01, v8;
	[tilespmem:s0+$0x30] =	vst v4;
	v4 =	vld [tilespmem:s0+$0xFFFFFF00]  }
.LBB2_3:
0x48: {  	v7 =	vld [tilespmem:s7+$0xF0];
	s1 =	sadd.s32 $0x4, s1;
	[tilespmem:s0+$0x90] =	vst v5;
	v0 =	vmul.f32 $1.131370830e+01, v0  }
0x49: {  	v5 =	vld [tilespmem:s7+$0xFFFFFF10];
	p0 =	slt.u32 s1, $0x7C;
	[tilespmem:s0+$0xA0] =	vst v6;
	v1 =	vmul.f32 $1.131370830e+01, v1  }
0x4a: {  	v6 =	vld [tilespmem:s7+$0xFFFFFF20];
	[tilespmem:s0+$0xB0] =	vst v0;
	v0 =	vmul.f32 $1.131370830e+01, v3  }
0x4b: {  	v3 =	vld [tilespmem:s7+$0xFFFFFF30];
	[tilespmem:s0+$0xC0] =	vst v1;
	v1 =	vmul.f32 $1.131370830e+01, v2  }
0x4c: {  	v2 =	vld [tilespmem:s7+$0xFFFFFF40];
	v4 =	vmul.f32 $1.131370830e+01, v4;
	[tilespmem:s0+$0xD0] =	vst v0  }
0x4d: {  	v0 =	vld [tilespmem:s7+$0xFFFFFF50];
	v7 =	vmul.f32 $1.131370830e+01, v7;
	[tilespmem:s0+$0xE0] =	vst v1  }
0x4e: {  	v1 =	vmul.f32 $1.131370830e+01, v5;
	v5 =	vld [tilespmem:s7+$0xFFFFFF60];
	[tilespmem:s0+$0xFFFFFF00] =	vst v4;
	s0 =	smov.u32 s7  }
0x4f: {  	v4 =	vmul.f32 $1.131370830e+01, v6;
	v6 =	vld [tilespmem:s7+$0xFFFFFF70];
	[tilespmem:s7+$0xF0] =	vst v7  }
0x50: {  	[tilespmem:s7+$0xFFFFFF10] =	vst v1;
	v1 =	vmul.f32 $1.131370830e+01, v3;
	v3 =	vld [tilespmem:s7+$0xFFFFFF80]  }
0x51: {  	[tilespmem:s7+$0xFFFFFF20] =	vst v4;
	v2 =	vmul.f32 $1.131370830e+01, v2;
	v4 =	vld [tilespmem:s7+$0xFFFFFF90]  }
0x52: {  	[tilespmem:s7+$0xFFFFFF30] =	vst v1;
	v0 =	vmul.f32 $1.131370830e+01, v0;
	v1 =	vld [tilespmem:s7+$0xFFFFFFA0]  }
0x53: {  	[tilespmem:s7+$0xFFFFFF40] =	vst v2;
	v2 =	vmul.f32 $1.131370830e+01, v5;
	v5 =	vld [tilespmem:s7+$0xFFFFFFB0]  }
0x54: {  	[tilespmem:s7+$0xFFFFFF50] =	vst v0;
	v0 =	vmul.f32 $1.131370830e+01, v6;
	v6 =	vld [tilespmem:s7+$0xFFFFFFC0]  }
0x55: {  	[tilespmem:s7+$0xFFFFFF60] =	vst v2;
	v2 =	vmul.f32 $1.131370830e+01, v3;
	v3 =	vld [tilespmem:s7+$0xFFFFFFD0]  }
0x56: {  	[tilespmem:s7+$0xFFFFFF70] =	vst v0;
	v0 =	vmul.f32 $1.131370830e+01, v4;
	v4 =	vld [tilespmem:s7+$0xFFFFFFE0]  }
0x57: {  	[tilespmem:s7+$0xFFFFFF80] =	vst v2;
	v1 =	vmul.f32 $1.131370830e+01, v1;
	v2 =	vld [tilespmem:s7+$0xFFFFFFF0]  }
0x58: {  	[tilespmem:s7+$0xFFFFFF90] =	vst v0;
	v0 =	vmul.f32 $1.131370830e+01, v5;
	v5 =	vld [tilespmem:s7+$0x0]  }
0x59: {  	[tilespmem:s7+$0xFFFFFFA0] =	vst v1;
	v1 =	vmul.f32 $1.131370830e+01, v6;
	v6 =	vld [tilespmem:s7+$0x10]  }
0x5a: {  	[tilespmem:s7+$0xFFFFFFB0] =	vst v0;
	v0 =	vmul.f32 $1.131370830e+01, v3;
	v3 =	vld [tilespmem:s7+$0x20]  }
0x5b: {  	[tilespmem:s7+$0xFFFFFFC0] =	vst v1;
	v1 =	vmul.f32 $1.131370830e+01, v4;
	v4 =	vld [tilespmem:s7+$0x30]  }
0x5c: {  	[tilespmem:s7+$0xFFFFFFD0] =	vst v0;
	v0 =	vmul.f32 $1.131370830e+01, v2;
	v2 =	vld [tilespmem:s7+$0x40]  }
0x5d: {  	[tilespmem:s7+$0xFFFFFFE0] =	vst v1;
	v1 =	vmul.f32 $1.131370830e+01, v5;
	v5 =	vld [tilespmem:s7+$0x50]  }
0x5e: {  	[tilespmem:s7+$0xFFFFFFF0] =	vst v0;
	v0 =	vmul.f32 $1.131370830e+01, v6;
	v6 =	vld [tilespmem:s7+$0x60]  }
0x5f: {  	[tilespmem:s7+$0x0] =	vst v1;
	v1 =	vmul.f32 $1.131370830e+01, v3;
	v3 =	vld [tilespmem:s7+$0x70]  }
0x60: {  	[tilespmem:s7+$0x10] =	vst v0;
	v0 =	vmul.f32 $1.131370830e+01, v4;
	v4 =	vld [tilespmem:s7+$0x80]  }
0x61: {  	[tilespmem:s7+$0x20] =	vst v1;
	v1 =	vmul.f32 $1.131370830e+01, v2;
	v2 =	vld [tilespmem:s7+$0x90]  }
0x62: {  	[tilespmem:s7+$0x30] =	vst v0;
	v5 =	vmul.f32 $1.131370830e+01, v5;
	v7 =	vld [tilespmem:s7+$0xA0]  }
.Ltmp2:
0x63: {  	[tilespmem:s7+$0x40] =	vst v1;
	v6 =	vmul.f32 $1.131370830e+01, v6;
	v0 =	vld [tilespmem:s7+$0xB0];
	(pc) =	sbr.rel @p0 .LBB2_3-.Ltmp2, $4  }
0x64: {  	[tilespmem:s7+$0x50] =	vst v5;
	v5 =	vmul.f32 $1.131370830e+01, v3;
	v1 =	vld [tilespmem:s7+$0xC0]  }
0x65: {  	[tilespmem:s7+$0x60] =	vst v6;
	v6 =	vmul.f32 $1.131370830e+01, v4;
	v3 =	vld [tilespmem:s7+$0xD0]  }
0x66: {  	[tilespmem:s7+$0x70] =	vst v5;
	v5 =	vmul.f32 $1.131370830e+01, v2;
	v2 =	vld [tilespmem:s7+$0xE0]  }
0x67: {  	s7 =	sadd.s32 $0x200, s7;
	v4 =	vld [tilespmem:s0+$0xFFFFFF00];
	[tilespmem:s0+$0x80] =	vst v6;
	v6 =	vmul.f32 $1.131370830e+01, v7  }
0x68: {  	[tilespmem:s0+$0x90] =	vst v5;
	v0 =	vmul.f32 $1.131370830e+01, v0  }
0x69: {  	[tilespmem:s0+$0xA0] =	vst v6;
	v1 =	vmul.f32 $1.131370830e+01, v1  }
0x6a: {  	s1 =	smul.u32 $0x280, s31;
	[tilespmem:s0+$0xB0] =	vst v0;
	v0 =	vmul.f32 $1.131370830e+01, v3  }
0x6b: {  	[tilespmem:s0+$0xC0] =	vst v1;
	v1 =	vmul.f32 $1.131370830e+01, v2  }
0x6c: {  	s1 =	sadd.s32 s5, s1;
	v2 =	vmul.f32 $1.131370830e+01, v4;
	[tilespmem:s0+$0xD0] =	vst v0  }
0x6d: {  	p0 =	seq.s32 s31, $0x0;
	s1 =	sshll.u32 s1, $0x4;
	[tilespmem:s0+$0xE0] =	vst v1  }
0x6e: {  	s7 =	simm.s32 @!p0 $0x9;
	s11 =	sadd.s32 s3, s1;
	[tilespmem:s0+$0xFFFFFF00] =	vst v2;
	s0 =	smul.u32 $0x5, s31  }
0x6f: {  	[hbm4b:s11+s4] =	stream.linear.scatter [tilespmem:s13], [sflag:$0x6], $0x4000, $0x38;
	[tilespmem:$0x1A400] =	vst v63  }
0x70: {  	_ =	swait.ge @!p0 [sflag:s7], $0x4000;
	s1 =	sadd.s32 $0x3, s0  }
0x71: {  	[sflag:s7] =	ssyncset.done @!p0 $0x0;
	s10 =	sshll.u32 s1, $0x7  }
0x72: {  	[sflag:s7] =	ssyncadd.s32 @!p0 $0xFFFFC000;
	s15 =	sand.u32 $0x3FFFFF80, s10  }
0x73: {  	[tilespmem:s18], [sflag:$0x4] =	stream.indirect.gather [hbm4b:s2+s12], $0x80, s15, s12, $0xb8;
	[tilespmem:$0x1A400] =	vst v63  }
0x74: {  	_ =	swait.ge [sflag:s19], $0x4000  }
0x75: {  	[sflag:s19] =	ssyncset.done $0x0  }
0x76: {  	s7 =	simm.s32 $0xA500;
	[sflag:s19] =	ssyncadd.s32 $0xFFFFC000  }
0x77: {  	v0 =	vld [tilespmem:s7+$0xF0]  }
0x78: {  	v1 =	vld [tilespmem:s7+$0xFFFFFF10]  }
0x79: {  	v2 =	vld [tilespmem:s7+$0xFFFFFF20]  }
0x7a: {  	v3 =	vld [tilespmem:s7+$0xFFFFFF30]  }
0x7b: {  	v6 =	vld [tilespmem:s7+$0xFFFFFF60]  }
0x7c: {  	v4 =	vld [tilespmem:s7+$0xFFFFFF40]  }
0x7d: {  	v5 =	vld [tilespmem:s7+$0xFFFFFF50];
	v0 =	vmul.f32 $1.131370830e+01, v0  }
0x7e: {  	v8 =	vld [tilespmem:s7+$0xFFFFFF80];
	v1 =	vmul.f32 $1.131370830e+01, v1  }
0x7f: {  	v7 =	vld [tilespmem:s7+$0xFFFFFF70];
	v2 =	vmul.f32 $1.131370830e+01, v2;
	[tilespmem:s7+$0xF0] =	vst v0  }
0x80: {  	v6 =	vmul.f32 $1.131370830e+01, v6;
	v0 =	vld [tilespmem:s7+$0xFFFFFF90];
	[tilespmem:s7+$0xFFFFFF10] =	vst v1  }
0x81: {  	v1 =	vmul.f32 $1.131370830e+01, v3;
	v3 =	vld [tilespmem:s7+$0xFFFFFFA0];
	[tilespmem:s7+$0xFFFFFF20] =	vst v2;
	v2 =	vmul.f32 $1.131370830e+01, v4  }
0x82: {  	[tilespmem:s7+$0xFFFFFF60] =	vst v6;
	v6 =	vld [tilespmem:s7+$0xFFFFFFF0]  }
0x83: {  	v4 =	vld [tilespmem:s7+$0xFFFFFFB0];
	[tilespmem:s7+$0xFFFFFF40] =	vst v2;
	v2 =	vmul.f32 $1.131370830e+01, v8  }
0x84: {  	[tilespmem:s7+$0xFFFFFF30] =	vst v1;
	v1 =	vmul.f32 $1.131370830e+01, v5;
	v5 =	vld [tilespmem:s7+$0xFFFFFFC0]  }
0x85: {  	v8 =	vld [tilespmem:s7+$0xFFFFFFD0];
	[tilespmem:s7+$0xFFFFFF80] =	vst v2;
	v2 =	vmul.f32 $1.131370830e+01, v7  }
0x86: {  	[tilespmem:s7+$0xFFFFFF50] =	vst v1;
	v1 =	vld [tilespmem:s7+$0xFFFFFFE0];
	v0 =	vmul.f32 $1.131370830e+01, v0  }
0x87: {  	v7 =	vld [tilespmem:s7+$0x30];
	v6 =	vmul.f32 $1.131370830e+01, v6;
	[tilespmem:s7+$0xFFFFFF70] =	vst v2  }
0x88: {  	v2 =	vmul.f32 $1.131370830e+01, v3;
	v3 =	vld [tilespmem:s7+$0x0];
	[tilespmem:s7+$0xFFFFFF90] =	vst v0  }
0x89: {  	v0 =	vmul.f32 $1.131370830e+01, v4;
	v4 =	vld [tilespmem:s7+$0x10];
	[tilespmem:s7+$0xFFFFFFF0] =	vst v6  }
0x8a: {  	[tilespmem:s7+$0xFFFFFFA0] =	vst v2;
	v2 =	vmul.f32 $1.131370830e+01, v5;
	v5 =	vld [tilespmem:s7+$0x20]  }
0x8b: {  	v6 =	vld [tilespmem:s7+$0x80];
	[tilespmem:s7+$0xFFFFFFB0] =	vst v0;
	v0 =	vmul.f32 $1.131370830e+01, v8  }
0x8c: {  	v1 =	vmul.f32 $1.131370830e+01, v1;
	[tilespmem:s7+$0xFFFFFFC0] =	vst v2;
	v2 =	vld [tilespmem:s7+$0x40]  }
0x8d: {  	[tilespmem:s7+$0xFFFFFFD0] =	vst v0;
	v0 =	vmul.f32 $1.131370830e+01, v3;
	v3 =	vld [tilespmem:s7+$0x50]  }
0x8e: {  	[tilespmem:s7+$0xFFFFFFE0] =	vst v1;
	v1 =	vld [tilespmem:s7+$0x60];
	v4 =	vmul.f32 $1.131370830e+01, v4  }
0x8f: {  	[tilespmem:s7+$0x0] =	vst v0;
	v0 =	vmul.f32 $1.131370830e+01, v5;
	v5 =	vld [tilespmem:s7+$0x70]  }
0x90: {  	v6 =	vmul.f32 $1.131370830e+01, v6;
	[tilespmem:s7+$0x10] =	vst v4  }
0x91: {  	v4 =	vmul.f32 $1.131370830e+01, v7;
	v7 =	vld [tilespmem:s7+$0x90];
	[tilespmem:s7+$0x20] =	vst v0;
	v0 =	vmul.f32 $1.131370830e+01, v2  }
0x92: {  	v8 =	vld [tilespmem:s7+$0xA0];
	[tilespmem:s7+$0x80] =	vst v6;
	v2 =	vmul.f32 $1.131370830e+01, v3  }
0x93: {  	v3 =	vmul.f32 $1.131370830e+01, v1;
	[tilespmem:s7+$0x40] =	vst v0;
	v0 =	vld [tilespmem:s7+$0xB0]  }
0x94: {  	v1 =	vld [tilespmem:s7+$0xC0];
	[tilespmem:s7+$0x50] =	vst v2;
	v2 =	vmul.f32 $1.131370830e+01, v5  }
0x95: {  	[tilespmem:s7+$0x60] =	vst v3;
	v3 =	vld [tilespmem:s7+$0xD0]  }
0x96: {  	v5 =	vmul.f32 $1.131370830e+01, v7;
	[tilespmem:s7+$0x70] =	vst v2;
	v2 =	vld [tilespmem:s7+$0xE0]  }
0x97: {  	s10 =	simm.s32 $0xA700;
	s15 =	simm.s32 $0x0;
	v6 =	vmul.f32 $1.131370830e+01, v8;
	[tilespmem:s7+$0x30] =	vst v4;
	v4 =	vld [tilespmem:s7+$0xFFFFFF00]  }
.LBB2_5:
0x98: {  	v7 =	vld [tilespmem:s10+$0xF0];
	s15 =	sadd.s32 $0x4, s15;
	[tilespmem:s7+$0x90] =	vst v5;
	v0 =	vmul.f32 $1.131370830e+01, v0  }
0x99: {  	v5 =	vld [tilespmem:s10+$0xFFFFFF10];
	p1 =	slt.u32 s15, $0x7C;
	[tilespmem:s7+$0xA0] =	vst v6;
	v1 =	vmul.f32 $1.131370830e+01, v1  }
0x9a: {  	v6 =	vld [tilespmem:s10+$0xFFFFFF20];
	[tilespmem:s7+$0xB0] =	vst v0;
	v0 =	vmul.f32 $1.131370830e+01, v3  }
0x9b: {  	v3 =	vld [tilespmem:s10+$0xFFFFFF30];
	[tilespmem:s7+$0xC0] =	vst v1;
	v1 =	vmul.f32 $1.131370830e+01, v2  }
0x9c: {  	v2 =	vld [tilespmem:s10+$0xFFFFFF40];
	v4 =	vmul.f32 $1.131370830e+01, v4;
	[tilespmem:s7+$0xD0] =	vst v0  }
0x9d: {  	v0 =	vld [tilespmem:s10+$0xFFFFFF50];
	v7 =	vmul.f32 $1.131370830e+01, v7;
	[tilespmem:s7+$0xE0] =	vst v1  }
0x9e: {  	v1 =	vmul.f32 $1.131370830e+01, v5;
	v5 =	vld [tilespmem:s10+$0xFFFFFF60];
	[tilespmem:s7+$0xFFFFFF00] =	vst v4;
	s7 =	smov.u32 s10  }
0x9f: {  	v4 =	vmul.f32 $1.131370830e+01, v6;
	v6 =	vld [tilespmem:s10+$0xFFFFFF70];
	[tilespmem:s10+$0xF0] =	vst v7  }
0xa0: {  	[tilespmem:s10+$0xFFFFFF10] =	vst v1;
	v1 =	vmul.f32 $1.131370830e+01, v3;
	v3 =	vld [tilespmem:s10+$0xFFFFFF80]  }
0xa1: {  	[tilespmem:s10+$0xFFFFFF20] =	vst v4;
	v2 =	vmul.f32 $1.131370830e+01, v2;
	v4 =	vld [tilespmem:s10+$0xFFFFFF90]  }
0xa2: {  	[tilespmem:s10+$0xFFFFFF30] =	vst v1;
	v0 =	vmul.f32 $1.131370830e+01, v0;
	v1 =	vld [tilespmem:s10+$0xFFFFFFA0]  }
0xa3: {  	[tilespmem:s10+$0xFFFFFF40] =	vst v2;
	v2 =	vmul.f32 $1.131370830e+01, v5;
	v5 =	vld [tilespmem:s10+$0xFFFFFFB0]  }
0xa4: {  	[tilespmem:s10+$0xFFFFFF50] =	vst v0;
	v0 =	vmul.f32 $1.131370830e+01, v6;
	v6 =	vld [tilespmem:s10+$0xFFFFFFC0]  }
0xa5: {  	[tilespmem:s10+$0xFFFFFF60] =	vst v2;
	v2 =	vmul.f32 $1.131370830e+01, v3;
	v3 =	vld [tilespmem:s10+$0xFFFFFFD0]  }
0xa6: {  	[tilespmem:s10+$0xFFFFFF70] =	vst v0;
	v0 =	vmul.f32 $1.131370830e+01, v4;
	v4 =	vld [tilespmem:s10+$0xFFFFFFE0]  }
0xa7: {  	[tilespmem:s10+$0xFFFFFF80] =	vst v2;
	v1 =	vmul.f32 $1.131370830e+01, v1;
	v2 =	vld [tilespmem:s10+$0xFFFFFFF0]  }
0xa8: {  	[tilespmem:s10+$0xFFFFFF90] =	vst v0;
	v0 =	vmul.f32 $1.131370830e+01, v5;
	v5 =	vld [tilespmem:s10+$0x0]  }
0xa9: {  	[tilespmem:s10+$0xFFFFFFA0] =	vst v1;
	v1 =	vmul.f32 $1.131370830e+01, v6;
	v6 =	vld [tilespmem:s10+$0x10]  }
0xaa: {  	[tilespmem:s10+$0xFFFFFFB0] =	vst v0;
	v0 =	vmul.f32 $1.131370830e+01, v3;
	v3 =	vld [tilespmem:s10+$0x20]  }
0xab: {  	[tilespmem:s10+$0xFFFFFFC0] =	vst v1;
	v1 =	vmul.f32 $1.131370830e+01, v4;
	v4 =	vld [tilespmem:s10+$0x30]  }
0xac: {  	[tilespmem:s10+$0xFFFFFFD0] =	vst v0;
	v0 =	vmul.f32 $1.131370830e+01, v2;
	v2 =	vld [tilespmem:s10+$0x40]  }
0xad: {  	[tilespmem:s10+$0xFFFFFFE0] =	vst v1;
	v1 =	vmul.f32 $1.131370830e+01, v5;
	v5 =	vld [tilespmem:s10+$0x50]  }
0xae: {  	[tilespmem:s10+$0xFFFFFFF0] =	vst v0;
	v0 =	vmul.f32 $1.131370830e+01, v6;
	v6 =	vld [tilespmem:s10+$0x60]  }
0xaf: {  	[tilespmem:s10+$0x0] =	vst v1;
	v1 =	vmul.f32 $1.131370830e+01, v3;
	v3 =	vld [tilespmem:s10+$0x70]  }
0xb0: {  	[tilespmem:s10+$0x10] =	vst v0;
	v0 =	vmul.f32 $1.131370830e+01, v4;
	v4 =	vld [tilespmem:s10+$0x80]  }
0xb1: {  	[tilespmem:s10+$0x20] =	vst v1;
	v1 =	vmul.f32 $1.131370830e+01, v2;
	v2 =	vld [tilespmem:s10+$0x90]  }
0xb2: {  	[tilespmem:s10+$0x30] =	vst v0;
	v5 =	vmul.f32 $1.131370830e+01, v5;
	v7 =	vld [tilespmem:s10+$0xA0]  }
.Ltmp3:
0xb3: {  	[tilespmem:s10+$0x40] =	vst v1;
	v6 =	vmul.f32 $1.131370830e+01, v6;
	v0 =	vld [tilespmem:s10+$0xB0];
	(pc) =	sbr.rel @p1 .LBB2_5-.Ltmp3, $4  }
0xb4: {  	[tilespmem:s10+$0x50] =	vst v5;
	v5 =	vmul.f32 $1.131370830e+01, v3;
	v1 =	vld [tilespmem:s10+$0xC0]  }
0xb5: {  	[tilespmem:s10+$0x60] =	vst v6;
	v6 =	vmul.f32 $1.131370830e+01, v4;
	v3 =	vld [tilespmem:s10+$0xD0]  }
0xb6: {  	[tilespmem:s10+$0x70] =	vst v5;
	v5 =	vmul.f32 $1.131370830e+01, v2;
	v2 =	vld [tilespmem:s10+$0xE0]  }
0xb7: {  	s10 =	sadd.s32 $0x200, s10;
	v4 =	vld [tilespmem:s7+$0xFFFFFF00];
	[tilespmem:s7+$0x80] =	vst v6;
	v6 =	vmul.f32 $1.131370830e+01, v7  }
0xb8: {  	[tilespmem:s7+$0x90] =	vst v5;
	v0 =	vmul.f32 $1.131370830e+01, v0  }
0xb9: {  	[tilespmem:s7+$0xA0] =	vst v6;
	v1 =	vmul.f32 $1.131370830e+01, v1  }
0xba: {  	s15 =	smul.u32 $0x14000, s31;
	[tilespmem:s7+$0xB0] =	vst v0;
	v0 =	vmul.f32 $1.131370830e+01, v3  }
0xbb: {  	[tilespmem:s7+$0xC0] =	vst v1;
	v1 =	vmul.f32 $1.131370830e+01, v2  }
0xbc: {  	s10 =	sadd.s32 s8, s15;
	v2 =	vmul.f32 $1.131370830e+01, v4;
	[tilespmem:s7+$0xD0] =	vst v0  }
0xbd: {  	s10 =	sshrl.u32 s10, $0x3;
	[tilespmem:s7+$0xE0] =	vst v1  }
0xbe: {  	s10 =	sadd.s32 s3, s10;
	[tilespmem:s7+$0xFFFFFF00] =	vst v2;
	s7 =	simm.s32 @!p0 $0xA  }
0xbf: {  	[hbm4b:s10+s4] =	stream.linear.scatter [tilespmem:s14], [sflag:$0x7], $0x4000, $0x38;
	[tilespmem:$0x1A400] =	vst v63  }
0xc0: {  	s0 =	sadd.s32 $0x4, s0;
	_ =	swait.ge @!p0 [sflag:s7], $0x4000  }
0xc1: {  	s11 =	sshll.u32 s0, $0x7;
	[sflag:s7] =	ssyncset.done @!p0 $0x0  }
0xc2: {  	s11 =	sand.u32 $0x3FFFFF80, s11;
	[sflag:s7] =	ssyncadd.s32 @!p0 $0xFFFFC000  }
0xc3: {  	[tilespmem:s20], [sflag:$0x5] =	stream.indirect.gather [hbm4b:s2+s12], $0x80, s11, s12, $0xb8;
	[tilespmem:$0x1A400] =	vst v63  }
0xc4: {  	_ =	swait.ge [sflag:s21], $0x4000  }
0xc5: {  	[sflag:s21] =	ssyncset.done $0x0  }
0xc6: {  	s7 =	simm.s32 $0xE500;
	[sflag:s21] =	ssyncadd.s32 $0xFFFFC000  }
0xc7: {  	v0 =	vld [tilespmem:s7+$0xF0]  }
0xc8: {  	v1 =	vld [tilespmem:s7+$0xFFFFFF10]  }
0xc9: {  	v2 =	vld [tilespmem:s7+$0xFFFFFF20]  }
0xca: {  	v3 =	vld [tilespmem:s7+$0xFFFFFF30]  }
0xcb: {  	v6 =	vld [tilespmem:s7+$0xFFFFFF60]  }
0xcc: {  	v4 =	vld [tilespmem:s7+$0xFFFFFF40]  }
0xcd: {  	v5 =	vld [tilespmem:s7+$0xFFFFFF50];
	v0 =	vmul.f32 $1.131370830e+01, v0  }
0xce: {  	v8 =	vld [tilespmem:s7+$0xFFFFFF80];
	v1 =	vmul.f32 $1.131370830e+01, v1  }
0xcf: {  	v7 =	vld [tilespmem:s7+$0xFFFFFF70];
	v2 =	vmul.f32 $1.131370830e+01, v2;
	[tilespmem:s7+$0xF0] =	vst v0  }
0xd0: {  	v6 =	vmul.f32 $1.131370830e+01, v6;
	v0 =	vld [tilespmem:s7+$0xFFFFFF90];
	[tilespmem:s7+$0xFFFFFF10] =	vst v1  }
0xd1: {  	v1 =	vmul.f32 $1.131370830e+01, v3;
	v3 =	vld [tilespmem:s7+$0xFFFFFFA0];
	[tilespmem:s7+$0xFFFFFF20] =	vst v2;
	v2 =	vmul.f32 $1.131370830e+01, v4  }
0xd2: {  	[tilespmem:s7+$0xFFFFFF60] =	vst v6;
	v6 =	vld [tilespmem:s7+$0xFFFFFFF0]  }
0xd3: {  	v4 =	vld [tilespmem:s7+$0xFFFFFFB0];
	[tilespmem:s7+$0xFFFFFF40] =	vst v2;
	v2 =	vmul.f32 $1.131370830e+01, v8  }
0xd4: {  	[tilespmem:s7+$0xFFFFFF30] =	vst v1;
	v1 =	vmul.f32 $1.131370830e+01, v5;
	v5 =	vld [tilespmem:s7+$0xFFFFFFC0]  }
0xd5: {  	v8 =	vld [tilespmem:s7+$0xFFFFFFD0];
	[tilespmem:s7+$0xFFFFFF80] =	vst v2;
	v2 =	vmul.f32 $1.131370830e+01, v7  }
0xd6: {  	[tilespmem:s7+$0xFFFFFF50] =	vst v1;
	v1 =	vld [tilespmem:s7+$0xFFFFFFE0];
	v0 =	vmul.f32 $1.131370830e+01, v0  }
0xd7: {  	v7 =	vld [tilespmem:s7+$0x30];
	v6 =	vmul.f32 $1.131370830e+01, v6;
	[tilespmem:s7+$0xFFFFFF70] =	vst v2  }
0xd8: {  	v2 =	vmul.f32 $1.131370830e+01, v3;
	v3 =	vld [tilespmem:s7+$0x0];
	[tilespmem:s7+$0xFFFFFF90] =	vst v0  }
0xd9: {  	v0 =	vmul.f32 $1.131370830e+01, v4;
	v4 =	vld [tilespmem:s7+$0x10];
	[tilespmem:s7+$0xFFFFFFF0] =	vst v6  }
0xda: {  	[tilespmem:s7+$0xFFFFFFA0] =	vst v2;
	v2 =	vmul.f32 $1.131370830e+01, v5;
	v5 =	vld [tilespmem:s7+$0x20]  }
0xdb: {  	v6 =	vld [tilespmem:s7+$0x80];
	[tilespmem:s7+$0xFFFFFFB0] =	vst v0;
	v0 =	vmul.f32 $1.131370830e+01, v8  }
0xdc: {  	v1 =	vmul.f32 $1.131370830e+01, v1;
	[tilespmem:s7+$0xFFFFFFC0] =	vst v2;
	v2 =	vld [tilespmem:s7+$0x40]  }
0xdd: {  	[tilespmem:s7+$0xFFFFFFD0] =	vst v0;
	v0 =	vmul.f32 $1.131370830e+01, v3  }
0xde: {  	v3 =	vld [tilespmem:s7+$0x50];
	[tilespmem:s7+$0xFFFFFFE0] =	vst v1;
	v4 =	vmul.f32 $1.131370830e+01, v4  }
0xdf: {  	v1 =	vld [tilespmem:s7+$0x60];
	[tilespmem:s7+$0x0] =	vst v0;
	v0 =	vmul.f32 $1.131370830e+01, v5  }
0xe0: {  	v6 =	vmul.f32 $1.131370830e+01, v6;
	v5 =	vld [tilespmem:s7+$0x70];
	[tilespmem:s7+$0x10] =	vst v4  }
0xe1: {  	v4 =	vmul.f32 $1.131370830e+01, v7;
	v7 =	vld [tilespmem:s7+$0x90];
	[tilespmem:s7+$0x20] =	vst v0;
	v0 =	vmul.f32 $1.131370830e+01, v2  }
0xe2: {  	v8 =	vld [tilespmem:s7+$0xA0];
	[tilespmem:s7+$0x80] =	vst v6  }
0xe3: {  	v2 =	vmul.f32 $1.131370830e+01, v3;
	[tilespmem:s7+$0x40] =	vst v0;
	v0 =	vld [tilespmem:s7+$0xB0]  }
0xe4: {  	[tilespmem:s7+$0x30] =	vst v4;
	v3 =	vmul.f32 $1.131370830e+01, v1;
	v1 =	vld [tilespmem:s7+$0xC0]  }
0xe5: {  	[tilespmem:s7+$0x50] =	vst v2;
	v4 =	vmul.f32 $1.131370830e+01, v5;
	v2 =	vld [tilespmem:s7+$0xD0]  }
0xe6: {  	[tilespmem:s7+$0x60] =	vst v3;
	v3 =	vld [tilespmem:s7+$0xE0];
	v5 =	vmul.f32 $1.131370830e+01, v7  }
0xe7: {  	s10 =	simm.s32 $0x0;
	s11 =	simm.s32 $0xE700;
	v6 =	vmul.f32 $1.131370830e+01, v8;
	[tilespmem:s7+$0x70] =	vst v4;
	v4 =	vld [tilespmem:s7+$0xFFFFFF00]  }
.LBB2_7:
0xe8: {  	v7 =	vld [tilespmem:s11+$0xF0];
	s10 =	sadd.s32 $0x4, s10;
	[tilespmem:s7+$0x90] =	vst v5;
	v0 =	vmul.f32 $1.131370830e+01, v0  }
0xe9: {  	v5 =	vld [tilespmem:s11+$0xFFFFFF10];
	p0 =	slt.u32 s10, $0x7C;
	[tilespmem:s7+$0xA0] =	vst v6;
	v1 =	vmul.f32 $1.131370830e+01, v1  }
0xea: {  	v6 =	vld [tilespmem:s11+$0xFFFFFF20];
	[tilespmem:s7+$0xB0] =	vst v0;
	v0 =	vmul.f32 $1.131370830e+01, v2  }
0xeb: {  	v2 =	vld [tilespmem:s11+$0xFFFFFF30];
	[tilespmem:s7+$0xC0] =	vst v1;
	v1 =	vmul.f32 $1.131370830e+01, v3  }
0xec: {  	v3 =	vld [tilespmem:s11+$0xFFFFFF40];
	v4 =	vmul.f32 $1.131370830e+01, v4;
	[tilespmem:s7+$0xD0] =	vst v0  }
0xed: {  	v0 =	vld [tilespmem:s11+$0xFFFFFF50];
	v7 =	vmul.f32 $1.131370830e+01, v7;
	[tilespmem:s7+$0xE0] =	vst v1  }
0xee: {  	v1 =	vmul.f32 $1.131370830e+01, v5;
	v5 =	vld [tilespmem:s11+$0xFFFFFF60];
	[tilespmem:s7+$0xFFFFFF00] =	vst v4;
	s7 =	smov.u32 s11  }
0xef: {  	v4 =	vmul.f32 $1.131370830e+01, v6;
	v6 =	vld [tilespmem:s11+$0xFFFFFF70];
	[tilespmem:s11+$0xF0] =	vst v7  }
0xf0: {  	[tilespmem:s11+$0xFFFFFF10] =	vst v1;
	v1 =	vmul.f32 $1.131370830e+01, v2;
	v2 =	vld [tilespmem:s11+$0xFFFFFF80]  }
0xf1: {  	[tilespmem:s11+$0xFFFFFF20] =	vst v4;
	v3 =	vmul.f32 $1.131370830e+01, v3;
	v4 =	vld [tilespmem:s11+$0xFFFFFF90]  }
0xf2: {  	[tilespmem:s11+$0xFFFFFF30] =	vst v1;
	v0 =	vmul.f32 $1.131370830e+01, v0;
	v1 =	vld [tilespmem:s11+$0xFFFFFFA0]  }
0xf3: {  	[tilespmem:s11+$0xFFFFFF40] =	vst v3;
	v3 =	vmul.f32 $1.131370830e+01, v5;
	v5 =	vld [tilespmem:s11+$0xFFFFFFB0]  }
0xf4: {  	[tilespmem:s11+$0xFFFFFF50] =	vst v0;
	v0 =	vmul.f32 $1.131370830e+01, v6;
	v6 =	vld [tilespmem:s11+$0xFFFFFFC0]  }
0xf5: {  	[tilespmem:s11+$0xFFFFFF60] =	vst v3;
	v2 =	vmul.f32 $1.131370830e+01, v2;
	v3 =	vld [tilespmem:s11+$0xFFFFFFD0]  }
0xf6: {  	[tilespmem:s11+$0xFFFFFF70] =	vst v0;
	v0 =	vmul.f32 $1.131370830e+01, v4;
	v4 =	vld [tilespmem:s11+$0xFFFFFFE0]  }
0xf7: {  	[tilespmem:s11+$0xFFFFFF80] =	vst v2;
	v1 =	vmul.f32 $1.131370830e+01, v1;
	v2 =	vld [tilespmem:s11+$0xFFFFFFF0]  }
0xf8: {  	[tilespmem:s11+$0xFFFFFF90] =	vst v0;
	v0 =	vmul.f32 $1.131370830e+01, v5;
	v5 =	vld [tilespmem:s11+$0x0]  }
0xf9: {  	[tilespmem:s11+$0xFFFFFFA0] =	vst v1;
	v1 =	vmul.f32 $1.131370830e+01, v6;
	v6 =	vld [tilespmem:s11+$0x10]  }
0xfa: {  	[tilespmem:s11+$0xFFFFFFB0] =	vst v0;
	v0 =	vmul.f32 $1.131370830e+01, v3;
	v3 =	vld [tilespmem:s11+$0x20]  }
0xfb: {  	[tilespmem:s11+$0xFFFFFFC0] =	vst v1;
	v1 =	vmul.f32 $1.131370830e+01, v4;
	v4 =	vld [tilespmem:s11+$0x30]  }
0xfc: {  	[tilespmem:s11+$0xFFFFFFD0] =	vst v0;
	v0 =	vmul.f32 $1.131370830e+01, v2;
	v2 =	vld [tilespmem:s11+$0x40]  }
0xfd: {  	[tilespmem:s11+$0xFFFFFFE0] =	vst v1;
	v1 =	vmul.f32 $1.131370830e+01, v5;
	v5 =	vld [tilespmem:s11+$0x50]  }
0xfe: {  	[tilespmem:s11+$0xFFFFFFF0] =	vst v0;
	v0 =	vmul.f32 $1.131370830e+01, v6;
	v6 =	vld [tilespmem:s11+$0x60]  }
0xff: {  	[tilespmem:s11+$0x0] =	vst v1;
	v1 =	vmul.f32 $1.131370830e+01, v3;
	v3 =	vld [tilespmem:s11+$0x70]  }
0x100: {  	[tilespmem:s11+$0x10] =	vst v0;
	v0 =	vmul.f32 $1.131370830e+01, v4;
	v4 =	vld [tilespmem:s11+$0x80]  }
0x101: {  	[tilespmem:s11+$0x20] =	vst v1;
	v1 =	vmul.f32 $1.131370830e+01, v2;
	v7 =	vld [tilespmem:s11+$0x90]  }
0x102: {  	[tilespmem:s11+$0x30] =	vst v0;
	v2 =	vmul.f32 $1.131370830e+01, v5;
	v8 =	vld [tilespmem:s11+$0xA0]  }
.Ltmp4:
0x103: {  	[tilespmem:s11+$0x40] =	vst v1;
	v5 =	vmul.f32 $1.131370830e+01, v6;
	v0 =	vld [tilespmem:s11+$0xB0];
	(pc) =	sbr.rel @p0 .LBB2_7-.Ltmp4, $4  }
0x104: {  	[tilespmem:s11+$0x50] =	vst v2;
	v3 =	vmul.f32 $1.131370830e+01, v3;
	v1 =	vld [tilespmem:s11+$0xC0]  }
0x105: {  	[tilespmem:s11+$0x60] =	vst v5;
	v6 =	vmul.f32 $1.131370830e+01, v4;
	v2 =	vld [tilespmem:s11+$0xD0]  }
0x106: {  	[tilespmem:s11+$0x70] =	vst v3;
	v5 =	vmul.f32 $1.131370830e+01, v7;
	v3 =	vld [tilespmem:s11+$0xE0]  }
0x107: {  	s11 =	sadd.s32 $0x200, s11;
	v4 =	vld [tilespmem:s7+$0xFFFFFF00];
	[tilespmem:s7+$0x80] =	vst v6;
	v6 =	vmul.f32 $1.131370830e+01, v8  }
0x108: {  	[tilespmem:s7+$0x90] =	vst v5;
	v0 =	vmul.f32 $1.131370830e+01, v0  }
0x109: {  	[tilespmem:s7+$0xA0] =	vst v6;
	v1 =	vmul.f32 $1.131370830e+01, v1  }
0x10a: {  	[tilespmem:s7+$0xB0] =	vst v0;
	v0 =	vmul.f32 $1.131370830e+01, v2  }
0x10b: {  	[tilespmem:s7+$0xC0] =	vst v1;
	v1 =	vmul.f32 $1.131370830e+01, v3  }
0x10c: {  	s10 =	sadd.s32 s9, s15;
	v2 =	vmul.f32 $1.131370830e+01, v4;
	[tilespmem:s7+$0xD0] =	vst v0  }
0x10d: {  	p0 =	seq.s32 s31, $0x27;
	s10 =	sshrl.u32 s10, $0x3;
	[tilespmem:s7+$0xE0] =	vst v1  }
0x10e: {  	s15 =	sadd.s32 s3, s10;
	[tilespmem:s7+$0xFFFFFF00] =	vst v2;
	s7 =	smul.u32 @!p0 $0xA00, s31  }
0x10f: {  	[hbm4b:s15+s4] =	stream.linear.scatter [tilespmem:s16], [sflag:$0x8], $0x4000, $0x38;
	[tilespmem:$0x1A400] =	vst v63  }
0x110: {  	_ =	swait.ge [sflag:s22], $0x4000  }
0x111: {  	s11 =	simm.s32 @!p0 $0x6400;
	s15 =	sshra.s32 @!p0 s7, $0x2;
	[sflag:s22] =	ssyncset.done $0x0  }
0x112: {  	s10 =	simm.s32 @!p0 $0x80;
	s7 =	sadd.s32 @!p0 $0x280, s15;
	[sflag:s22] =	ssyncadd.s32 $0xFFFFC000  }
0x113: {  	[tilespmem:s11], [sflag:$0x1] =	stream.indirect.gather @!p0 [hbm4b:s2+s10], $0x80, s7, s10, $0xb8;
	[tilespmem:$0x1A400] =	vst v63  }
0x114: {  	_ =	swait.ge [sflag:s23], $0x4000  }
0x115: {  	[sflag:s23] =	ssyncset.done $0x0  }
0x116: {  	s7 =	simm.s32 $0x12500;
	[sflag:s23] =	ssyncadd.s32 $0xFFFFC000  }
0x117: {  	v0 =	vld [tilespmem:s7+$0xF0]  }
0x118: {  	v1 =	vld [tilespmem:s7+$0xFFFFFF10]  }
0x119: {  	v2 =	vld [tilespmem:s7+$0xFFFFFF20]  }
0x11a: {  	v3 =	vld [tilespmem:s7+$0xFFFFFF30]  }
0x11b: {  	v6 =	vld [tilespmem:s7+$0xFFFFFF60]  }
0x11c: {  	v4 =	vld [tilespmem:s7+$0xFFFFFF40]  }
0x11d: {  	v5 =	vld [tilespmem:s7+$0xFFFFFF50];
	v0 =	vmul.f32 $1.131370830e+01, v0  }
0x11e: {  	v8 =	vld [tilespmem:s7+$0xFFFFFF80];
	v1 =	vmul.f32 $1.131370830e+01, v1  }
0x11f: {  	v7 =	vld [tilespmem:s7+$0xFFFFFF70];
	v2 =	vmul.f32 $1.131370830e+01, v2;
	[tilespmem:s7+$0xF0] =	vst v0  }
0x120: {  	v6 =	vmul.f32 $1.131370830e+01, v6;
	v0 =	vld [tilespmem:s7+$0xFFFFFF90];
	[tilespmem:s7+$0xFFFFFF10] =	vst v1  }
0x121: {  	v1 =	vmul.f32 $1.131370830e+01, v3;
	v3 =	vld [tilespmem:s7+$0xFFFFFFA0];
	[tilespmem:s7+$0xFFFFFF20] =	vst v2;
	v2 =	vmul.f32 $1.131370830e+01, v4  }
0x122: {  	[tilespmem:s7+$0xFFFFFF60] =	vst v6;
	v6 =	vld [tilespmem:s7+$0xFFFFFFF0]  }
0x123: {  	v4 =	vld [tilespmem:s7+$0xFFFFFFB0];
	[tilespmem:s7+$0xFFFFFF40] =	vst v2;
	v2 =	vmul.f32 $1.131370830e+01, v8  }
0x124: {  	[tilespmem:s7+$0xFFFFFF30] =	vst v1;
	v1 =	vmul.f32 $1.131370830e+01, v5;
	v5 =	vld [tilespmem:s7+$0xFFFFFFC0]  }
0x125: {  	v8 =	vld [tilespmem:s7+$0xFFFFFFD0];
	[tilespmem:s7+$0xFFFFFF80] =	vst v2;
	v2 =	vmul.f32 $1.131370830e+01, v7  }
0x126: {  	[tilespmem:s7+$0xFFFFFF50] =	vst v1;
	v1 =	vld [tilespmem:s7+$0xFFFFFFE0];
	v0 =	vmul.f32 $1.131370830e+01, v0  }
0x127: {  	v7 =	vld [tilespmem:s7+$0x30];
	v6 =	vmul.f32 $1.131370830e+01, v6;
	[tilespmem:s7+$0xFFFFFF70] =	vst v2  }
0x128: {  	v2 =	vmul.f32 $1.131370830e+01, v3;
	v3 =	vld [tilespmem:s7+$0x0];
	[tilespmem:s7+$0xFFFFFF90] =	vst v0  }
0x129: {  	v0 =	vmul.f32 $1.131370830e+01, v4;
	v4 =	vld [tilespmem:s7+$0x10];
	[tilespmem:s7+$0xFFFFFFF0] =	vst v6  }
0x12a: {  	[tilespmem:s7+$0xFFFFFFA0] =	vst v2;
	v2 =	vmul.f32 $1.131370830e+01, v5;
	v5 =	vld [tilespmem:s7+$0x20]  }
0x12b: {  	v6 =	vld [tilespmem:s7+$0x80];
	[tilespmem:s7+$0xFFFFFFB0] =	vst v0;
	v0 =	vmul.f32 $1.131370830e+01, v8  }
0x12c: {  	v1 =	vmul.f32 $1.131370830e+01, v1;
	[tilespmem:s7+$0xFFFFFFC0] =	vst v2;
	v2 =	vld [tilespmem:s7+$0x40]  }
0x12d: {  	[tilespmem:s7+$0xFFFFFFD0] =	vst v0;
	v0 =	vmul.f32 $1.131370830e+01, v3  }
0x12e: {  	v3 =	vld [tilespmem:s7+$0x50];
	[tilespmem:s7+$0xFFFFFFE0] =	vst v1;
	v4 =	vmul.f32 $1.131370830e+01, v4  }
0x12f: {  	v1 =	vld [tilespmem:s7+$0x60];
	[tilespmem:s7+$0x0] =	vst v0;
	v0 =	vmul.f32 $1.131370830e+01, v5  }
0x130: {  	v6 =	vmul.f32 $1.131370830e+01, v6;
	v5 =	vld [tilespmem:s7+$0x70];
	[tilespmem:s7+$0x10] =	vst v4  }
0x131: {  	v4 =	vmul.f32 $1.131370830e+01, v7;
	v7 =	vld [tilespmem:s7+$0x90];
	[tilespmem:s7+$0x20] =	vst v0;
	v0 =	vmul.f32 $1.131370830e+01, v2  }
0x132: {  	v8 =	vld [tilespmem:s7+$0xA0];
	[tilespmem:s7+$0x80] =	vst v6  }
0x133: {  	v2 =	vmul.f32 $1.131370830e+01, v3;
	[tilespmem:s7+$0x40] =	vst v0;
	v0 =	vld [tilespmem:s7+$0xB0]  }
0x134: {  	[tilespmem:s7+$0x30] =	vst v4;
	v3 =	vmul.f32 $1.131370830e+01, v1;
	v1 =	vld [tilespmem:s7+$0xC0]  }
0x135: {  	[tilespmem:s7+$0x50] =	vst v2;
	v4 =	vmul.f32 $1.131370830e+01, v5;
	v2 =	vld [tilespmem:s7+$0xD0]  }
0x136: {  	[tilespmem:s7+$0x60] =	vst v3;
	v3 =	vld [tilespmem:s7+$0xE0];
	v5 =	vmul.f32 $1.131370830e+01, v7  }
0x137: {  	s10 =	simm.s32 $0x0;
	s11 =	simm.s32 $0x12700;
	v6 =	vmul.f32 $1.131370830e+01, v8;
	[tilespmem:s7+$0x70] =	vst v4;
	v4 =	vld [tilespmem:s7+$0xFFFFFF00]  }
.LBB2_9:
0x138: {  	v7 =	vld [tilespmem:s11+$0xF0];
	s10 =	sadd.s32 $0x4, s10;
	[tilespmem:s7+$0x90] =	vst v5;
	v0 =	vmul.f32 $1.131370830e+01, v0  }
0x139: {  	v5 =	vld [tilespmem:s11+$0xFFFFFF10];
	p1 =	slt.u32 s10, $0x7C;
	[tilespmem:s7+$0xA0] =	vst v6;
	v1 =	vmul.f32 $1.131370830e+01, v1  }
0x13a: {  	v6 =	vld [tilespmem:s11+$0xFFFFFF20];
	[tilespmem:s7+$0xB0] =	vst v0;
	v0 =	vmul.f32 $1.131370830e+01, v2  }
0x13b: {  	v2 =	vld [tilespmem:s11+$0xFFFFFF30];
	[tilespmem:s7+$0xC0] =	vst v1;
	v1 =	vmul.f32 $1.131370830e+01, v3  }
0x13c: {  	v3 =	vld [tilespmem:s11+$0xFFFFFF40];
	v4 =	vmul.f32 $1.131370830e+01, v4;
	[tilespmem:s7+$0xD0] =	vst v0  }
0x13d: {  	v0 =	vld [tilespmem:s11+$0xFFFFFF50];
	v7 =	vmul.f32 $1.131370830e+01, v7;
	[tilespmem:s7+$0xE0] =	vst v1  }
0x13e: {  	v1 =	vmul.f32 $1.131370830e+01, v5;
	v5 =	vld [tilespmem:s11+$0xFFFFFF60];
	[tilespmem:s7+$0xFFFFFF00] =	vst v4;
	s7 =	smov.u32 s11  }
0x13f: {  	v4 =	vmul.f32 $1.131370830e+01, v6;
	v6 =	vld [tilespmem:s11+$0xFFFFFF70];
	[tilespmem:s11+$0xF0] =	vst v7  }
0x140: {  	[tilespmem:s11+$0xFFFFFF10] =	vst v1;
	v1 =	vmul.f32 $1.131370830e+01, v2;
	v2 =	vld [tilespmem:s11+$0xFFFFFF80]  }
0x141: {  	[tilespmem:s11+$0xFFFFFF20] =	vst v4;
	v3 =	vmul.f32 $1.131370830e+01, v3;
	v4 =	vld [tilespmem:s11+$0xFFFFFF90]  }
0x142: {  	[tilespmem:s11+$0xFFFFFF30] =	vst v1;
	v0 =	vmul.f32 $1.131370830e+01, v0;
	v1 =	vld [tilespmem:s11+$0xFFFFFFA0]  }
0x143: {  	[tilespmem:s11+$0xFFFFFF40] =	vst v3;
	v3 =	vmul.f32 $1.131370830e+01, v5;
	v5 =	vld [tilespmem:s11+$0xFFFFFFB0]  }
0x144: {  	[tilespmem:s11+$0xFFFFFF50] =	vst v0;
	v0 =	vmul.f32 $1.131370830e+01, v6;
	v6 =	vld [tilespmem:s11+$0xFFFFFFC0]  }
0x145: {  	[tilespmem:s11+$0xFFFFFF60] =	vst v3;
	v2 =	vmul.f32 $1.131370830e+01, v2;
	v3 =	vld [tilespmem:s11+$0xFFFFFFD0]  }
0x146: {  	[tilespmem:s11+$0xFFFFFF70] =	vst v0;
	v0 =	vmul.f32 $1.131370830e+01, v4;
	v4 =	vld [tilespmem:s11+$0xFFFFFFE0]  }
0x147: {  	[tilespmem:s11+$0xFFFFFF80] =	vst v2;
	v1 =	vmul.f32 $1.131370830e+01, v1;
	v2 =	vld [tilespmem:s11+$0xFFFFFFF0]  }
0x148: {  	[tilespmem:s11+$0xFFFFFF90] =	vst v0;
	v0 =	vmul.f32 $1.131370830e+01, v5;
	v5 =	vld [tilespmem:s11+$0x0]  }
0x149: {  	[tilespmem:s11+$0xFFFFFFA0] =	vst v1;
	v1 =	vmul.f32 $1.131370830e+01, v6;
	v6 =	vld [tilespmem:s11+$0x10]  }
0x14a: {  	[tilespmem:s11+$0xFFFFFFB0] =	vst v0;
	v0 =	vmul.f32 $1.131370830e+01, v3;
	v3 =	vld [tilespmem:s11+$0x20]  }
0x14b: {  	[tilespmem:s11+$0xFFFFFFC0] =	vst v1;
	v1 =	vmul.f32 $1.131370830e+01, v4;
	v4 =	vld [tilespmem:s11+$0x30]  }
0x14c: {  	[tilespmem:s11+$0xFFFFFFD0] =	vst v0;
	v0 =	vmul.f32 $1.131370830e+01, v2;
	v2 =	vld [tilespmem:s11+$0x40]  }
0x14d: {  	[tilespmem:s11+$0xFFFFFFE0] =	vst v1;
	v1 =	vmul.f32 $1.131370830e+01, v5;
	v5 =	vld [tilespmem:s11+$0x50]  }
0x14e: {  	[tilespmem:s11+$0xFFFFFFF0] =	vst v0;
	v0 =	vmul.f32 $1.131370830e+01, v6;
	v6 =	vld [tilespmem:s11+$0x60]  }
0x14f: {  	[tilespmem:s11+$0x0] =	vst v1;
	v1 =	vmul.f32 $1.131370830e+01, v3;
	v3 =	vld [tilespmem:s11+$0x70]  }
0x150: {  	[tilespmem:s11+$0x10] =	vst v0;
	v0 =	vmul.f32 $1.131370830e+01, v4;
	v4 =	vld [tilespmem:s11+$0x80]  }
0x151: {  	[tilespmem:s11+$0x20] =	vst v1;
	v1 =	vmul.f32 $1.131370830e+01, v2;
	v7 =	vld [tilespmem:s11+$0x90]  }
0x152: {  	[tilespmem:s11+$0x30] =	vst v0;
	v2 =	vmul.f32 $1.131370830e+01, v5;
	v8 =	vld [tilespmem:s11+$0xA0]  }
.Ltmp5:
0x153: {  	[tilespmem:s11+$0x40] =	vst v1;
	v5 =	vmul.f32 $1.131370830e+01, v6;
	v0 =	vld [tilespmem:s11+$0xB0];
	(pc) =	sbr.rel @p1 .LBB2_9-.Ltmp5, $4  }
0x154: {  	[tilespmem:s11+$0x50] =	vst v2;
	v3 =	vmul.f32 $1.131370830e+01, v3;
	v1 =	vld [tilespmem:s11+$0xC0]  }
0x155: {  	[tilespmem:s11+$0x60] =	vst v5;
	v6 =	vmul.f32 $1.131370830e+01, v4;
	v2 =	vld [tilespmem:s11+$0xD0]  }
0x156: {  	[tilespmem:s11+$0x70] =	vst v3;
	v5 =	vmul.f32 $1.131370830e+01, v7;
	v3 =	vld [tilespmem:s11+$0xE0]  }
0x157: {  	s11 =	sadd.s32 $0x200, s11;
	v4 =	vld [tilespmem:s7+$0xFFFFFF00];
	[tilespmem:s7+$0x80] =	vst v6;
	v6 =	vmul.f32 $1.131370830e+01, v8  }
0x158: {  	[tilespmem:s7+$0x90] =	vst v5;
	v0 =	vmul.f32 $1.131370830e+01, v0  }
0x159: {  	[tilespmem:s7+$0xA0] =	vst v6;
	v1 =	vmul.f32 $1.131370830e+01, v1  }
0x15a: {  	[tilespmem:s7+$0xB0] =	vst v0;
	v0 =	vmul.f32 $1.131370830e+01, v2  }
0x15b: {  	s1 =	sshll.u32 s1, $0xE;
	[tilespmem:s7+$0xC0] =	vst v1;
	v1 =	vmul.f32 $1.131370830e+01, v3  }
0x15c: {  	s1 =	sadd.s32 s6, s1;
	v2 =	vmul.f32 $1.131370830e+01, v4;
	[tilespmem:s7+$0xD0] =	vst v0  }
0x15d: {  	s1 =	sshrl.u32 s1, $0x3;
	[tilespmem:s7+$0xE0] =	vst v1  }
0x15e: {  	s1 =	sadd.s32 s3, s1;
	[tilespmem:s7+$0xFFFFFF00] =	vst v2  }
0x15f: {  	[hbm4b:s1+s4] =	stream.linear.scatter [tilespmem:s18], [sflag:$0x9], $0x4000, $0x38;
	[tilespmem:$0x1A400] =	vst v63  }
0x160: {  	_ =	swait.ge [sflag:s24], $0x4000  }
0x161: {  	s10 =	simm.s32 @!p0 $0xA400;
	[sflag:s24] =	ssyncset.done $0x0  }
0x162: {  	s7 =	simm.s32 @!p0 $0x80;
	s1 =	sadd.s32 @!p0 $0x300, s15;
	[sflag:s24] =	ssyncadd.s32 $0xFFFFC000  }
0x163: {  	[tilespmem:s10], [sflag:$0x2] =	stream.indirect.gather @!p0 [hbm4b:s2+s7], $0x80, s1, s7, $0xb8;
	[tilespmem:$0x1A400] =	vst v63  }
0x164: {  	_ =	swait.ge [sflag:s25], $0x4000  }
0x165: {  	[sflag:s25] =	ssyncset.done $0x0  }
0x166: {  	s1 =	simm.s32 $0x16500;
	[sflag:s25] =	ssyncadd.s32 $0xFFFFC000  }
0x167: {  	v0 =	vld [tilespmem:s1+$0xF0]  }
0x168: {  	v1 =	vld [tilespmem:s1+$0xFFFFFF10]  }
0x169: {  	v2 =	vld [tilespmem:s1+$0xFFFFFF20]  }
0x16a: {  	v3 =	vld [tilespmem:s1+$0xFFFFFF30]  }
0x16b: {  	v6 =	vld [tilespmem:s1+$0xFFFFFF60]  }
0x16c: {  	v4 =	vld [tilespmem:s1+$0xFFFFFF40]  }
0x16d: {  	v5 =	vld [tilespmem:s1+$0xFFFFFF50];
	v0 =	vmul.f32 $1.131370830e+01, v0  }
0x16e: {  	v8 =	vld [tilespmem:s1+$0xFFFFFF80];
	v1 =	vmul.f32 $1.131370830e+01, v1  }
0x16f: {  	v7 =	vld [tilespmem:s1+$0xFFFFFF70];
	v2 =	vmul.f32 $1.131370830e+01, v2;
	[tilespmem:s1+$0xF0] =	vst v0  }
0x170: {  	v6 =	vmul.f32 $1.131370830e+01, v6;
	v0 =	vld [tilespmem:s1+$0xFFFFFF90];
	[tilespmem:s1+$0xFFFFFF10] =	vst v1  }
0x171: {  	v1 =	vmul.f32 $1.131370830e+01, v3;
	v3 =	vld [tilespmem:s1+$0xFFFFFFA0];
	[tilespmem:s1+$0xFFFFFF20] =	vst v2;
	v2 =	vmul.f32 $1.131370830e+01, v4  }
0x172: {  	[tilespmem:s1+$0xFFFFFF60] =	vst v6;
	v6 =	vld [tilespmem:s1+$0xFFFFFFF0]  }
0x173: {  	v4 =	vld [tilespmem:s1+$0xFFFFFFB0];
	[tilespmem:s1+$0xFFFFFF40] =	vst v2;
	v2 =	vmul.f32 $1.131370830e+01, v8  }
0x174: {  	[tilespmem:s1+$0xFFFFFF30] =	vst v1;
	v1 =	vmul.f32 $1.131370830e+01, v5;
	v5 =	vld [tilespmem:s1+$0xFFFFFFC0]  }
0x175: {  	v8 =	vld [tilespmem:s1+$0xFFFFFFD0];
	[tilespmem:s1+$0xFFFFFF80] =	vst v2;
	v2 =	vmul.f32 $1.131370830e+01, v7  }
0x176: {  	[tilespmem:s1+$0xFFFFFF50] =	vst v1;
	v1 =	vld [tilespmem:s1+$0xFFFFFFE0];
	v0 =	vmul.f32 $1.131370830e+01, v0  }
0x177: {  	v7 =	vld [tilespmem:s1+$0x30];
	v6 =	vmul.f32 $1.131370830e+01, v6;
	[tilespmem:s1+$0xFFFFFF70] =	vst v2  }
0x178: {  	v2 =	vmul.f32 $1.131370830e+01, v3;
	v3 =	vld [tilespmem:s1+$0x0];
	[tilespmem:s1+$0xFFFFFF90] =	vst v0  }
0x179: {  	v0 =	vmul.f32 $1.131370830e+01, v4;
	v4 =	vld [tilespmem:s1+$0x10];
	[tilespmem:s1+$0xFFFFFFF0] =	vst v6  }
0x17a: {  	[tilespmem:s1+$0xFFFFFFA0] =	vst v2;
	v2 =	vmul.f32 $1.131370830e+01, v5;
	v5 =	vld [tilespmem:s1+$0x20]  }
0x17b: {  	v6 =	vld [tilespmem:s1+$0x80];
	[tilespmem:s1+$0xFFFFFFB0] =	vst v0;
	v0 =	vmul.f32 $1.131370830e+01, v8  }
0x17c: {  	v1 =	vmul.f32 $1.131370830e+01, v1;
	[tilespmem:s1+$0xFFFFFFC0] =	vst v2;
	v2 =	vld [tilespmem:s1+$0x40]  }
0x17d: {  	[tilespmem:s1+$0xFFFFFFD0] =	vst v0;
	v0 =	vmul.f32 $1.131370830e+01, v3  }
0x17e: {  	v3 =	vld [tilespmem:s1+$0x50];
	[tilespmem:s1+$0xFFFFFFE0] =	vst v1;
	v4 =	vmul.f32 $1.131370830e+01, v4  }
0x17f: {  	v1 =	vld [tilespmem:s1+$0x60];
	[tilespmem:s1+$0x0] =	vst v0;
	v0 =	vmul.f32 $1.131370830e+01, v5  }
0x180: {  	v6 =	vmul.f32 $1.131370830e+01, v6;
	v5 =	vld [tilespmem:s1+$0x70];
	[tilespmem:s1+$0x10] =	vst v4  }
0x181: {  	v4 =	vmul.f32 $1.131370830e+01, v7;
	v7 =	vld [tilespmem:s1+$0x90];
	[tilespmem:s1+$0x20] =	vst v0;
	v0 =	vmul.f32 $1.131370830e+01, v2  }
0x182: {  	v8 =	vld [tilespmem:s1+$0xA0];
	[tilespmem:s1+$0x80] =	vst v6  }
0x183: {  	v2 =	vmul.f32 $1.131370830e+01, v3;
	[tilespmem:s1+$0x40] =	vst v0;
	v0 =	vld [tilespmem:s1+$0xB0]  }
0x184: {  	[tilespmem:s1+$0x30] =	vst v4;
	v3 =	vmul.f32 $1.131370830e+01, v1;
	v1 =	vld [tilespmem:s1+$0xC0]  }
0x185: {  	[tilespmem:s1+$0x50] =	vst v2;
	v4 =	vmul.f32 $1.131370830e+01, v5;
	v2 =	vld [tilespmem:s1+$0xD0]  }
0x186: {  	[tilespmem:s1+$0x60] =	vst v3;
	v3 =	vld [tilespmem:s1+$0xE0];
	v5 =	vmul.f32 $1.131370830e+01, v7  }
0x187: {  	s7 =	simm.s32 $0x0;
	s10 =	simm.s32 $0x16700;
	v6 =	vmul.f32 $1.131370830e+01, v8;
	[tilespmem:s1+$0x70] =	vst v4;
	v4 =	vld [tilespmem:s1+$0xFFFFFF00]  }
.LBB2_11:
0x188: {  	v7 =	vld [tilespmem:s10+$0xF0];
	s7 =	sadd.s32 $0x4, s7;
	[tilespmem:s1+$0x90] =	vst v5;
	v0 =	vmul.f32 $1.131370830e+01, v0  }
0x189: {  	v5 =	vld [tilespmem:s10+$0xFFFFFF10];
	p1 =	slt.u32 s7, $0x7C;
	[tilespmem:s1+$0xA0] =	vst v6;
	v1 =	vmul.f32 $1.131370830e+01, v1  }
0x18a: {  	v6 =	vld [tilespmem:s10+$0xFFFFFF20];
	[tilespmem:s1+$0xB0] =	vst v0;
	v0 =	vmul.f32 $1.131370830e+01, v2  }
0x18b: {  	v2 =	vld [tilespmem:s10+$0xFFFFFF30];
	[tilespmem:s1+$0xC0] =	vst v1;
	v1 =	vmul.f32 $1.131370830e+01, v3  }
0x18c: {  	v3 =	vld [tilespmem:s10+$0xFFFFFF40];
	v4 =	vmul.f32 $1.131370830e+01, v4;
	[tilespmem:s1+$0xD0] =	vst v0  }
0x18d: {  	v0 =	vld [tilespmem:s10+$0xFFFFFF50];
	v7 =	vmul.f32 $1.131370830e+01, v7;
	[tilespmem:s1+$0xE0] =	vst v1  }
0x18e: {  	v1 =	vmul.f32 $1.131370830e+01, v5;
	v5 =	vld [tilespmem:s10+$0xFFFFFF60];
	[tilespmem:s1+$0xFFFFFF00] =	vst v4;
	s1 =	smov.u32 s10  }
0x18f: {  	v4 =	vmul.f32 $1.131370830e+01, v6;
	v6 =	vld [tilespmem:s10+$0xFFFFFF70];
	[tilespmem:s10+$0xF0] =	vst v7  }
0x190: {  	[tilespmem:s10+$0xFFFFFF10] =	vst v1;
	v1 =	vmul.f32 $1.131370830e+01, v2;
	v2 =	vld [tilespmem:s10+$0xFFFFFF80]  }
0x191: {  	[tilespmem:s10+$0xFFFFFF20] =	vst v4;
	v3 =	vmul.f32 $1.131370830e+01, v3;
	v4 =	vld [tilespmem:s10+$0xFFFFFF90]  }
0x192: {  	[tilespmem:s10+$0xFFFFFF30] =	vst v1;
	v0 =	vmul.f32 $1.131370830e+01, v0;
	v1 =	vld [tilespmem:s10+$0xFFFFFFA0]  }
0x193: {  	[tilespmem:s10+$0xFFFFFF40] =	vst v3;
	v3 =	vmul.f32 $1.131370830e+01, v5;
	v5 =	vld [tilespmem:s10+$0xFFFFFFB0]  }
0x194: {  	[tilespmem:s10+$0xFFFFFF50] =	vst v0;
	v0 =	vmul.f32 $1.131370830e+01, v6;
	v6 =	vld [tilespmem:s10+$0xFFFFFFC0]  }
0x195: {  	[tilespmem:s10+$0xFFFFFF60] =	vst v3;
	v2 =	vmul.f32 $1.131370830e+01, v2;
	v3 =	vld [tilespmem:s10+$0xFFFFFFD0]  }
0x196: {  	[tilespmem:s10+$0xFFFFFF70] =	vst v0;
	v0 =	vmul.f32 $1.131370830e+01, v4;
	v4 =	vld [tilespmem:s10+$0xFFFFFFE0]  }
0x197: {  	[tilespmem:s10+$0xFFFFFF80] =	vst v2;
	v1 =	vmul.f32 $1.131370830e+01, v1;
	v2 =	vld [tilespmem:s10+$0xFFFFFFF0]  }
0x198: {  	[tilespmem:s10+$0xFFFFFF90] =	vst v0;
	v0 =	vmul.f32 $1.131370830e+01, v5;
	v5 =	vld [tilespmem:s10+$0x0]  }
0x199: {  	[tilespmem:s10+$0xFFFFFFA0] =	vst v1;
	v1 =	vmul.f32 $1.131370830e+01, v6;
	v6 =	vld [tilespmem:s10+$0x10]  }
0x19a: {  	[tilespmem:s10+$0xFFFFFFB0] =	vst v0;
	v0 =	vmul.f32 $1.131370830e+01, v3;
	v3 =	vld [tilespmem:s10+$0x20]  }
0x19b: {  	[tilespmem:s10+$0xFFFFFFC0] =	vst v1;
	v1 =	vmul.f32 $1.131370830e+01, v4;
	v4 =	vld [tilespmem:s10+$0x30]  }
0x19c: {  	[tilespmem:s10+$0xFFFFFFD0] =	vst v0;
	v0 =	vmul.f32 $1.131370830e+01, v2;
	v2 =	vld [tilespmem:s10+$0x40]  }
0x19d: {  	[tilespmem:s10+$0xFFFFFFE0] =	vst v1;
	v1 =	vmul.f32 $1.131370830e+01, v5;
	v5 =	vld [tilespmem:s10+$0x50]  }
0x19e: {  	[tilespmem:s10+$0xFFFFFFF0] =	vst v0;
	v0 =	vmul.f32 $1.131370830e+01, v6;
	v6 =	vld [tilespmem:s10+$0x60]  }
0x19f: {  	[tilespmem:s10+$0x0] =	vst v1;
	v1 =	vmul.f32 $1.131370830e+01, v3;
	v3 =	vld [tilespmem:s10+$0x70]  }
0x1a0: {  	[tilespmem:s10+$0x10] =	vst v0;
	v0 =	vmul.f32 $1.131370830e+01, v4;
	v4 =	vld [tilespmem:s10+$0x80]  }
0x1a1: {  	[tilespmem:s10+$0x20] =	vst v1;
	v1 =	vmul.f32 $1.131370830e+01, v2;
	v7 =	vld [tilespmem:s10+$0x90]  }
0x1a2: {  	[tilespmem:s10+$0x30] =	vst v0;
	v2 =	vmul.f32 $1.131370830e+01, v5;
	v8 =	vld [tilespmem:s10+$0xA0]  }
.Ltmp6:
0x1a3: {  	[tilespmem:s10+$0x40] =	vst v1;
	v5 =	vmul.f32 $1.131370830e+01, v6;
	v0 =	vld [tilespmem:s10+$0xB0];
	(pc) =	sbr.rel @p1 .LBB2_11-.Ltmp6, $4  }
0x1a4: {  	[tilespmem:s10+$0x50] =	vst v2;
	v3 =	vmul.f32 $1.131370830e+01, v3;
	v1 =	vld [tilespmem:s10+$0xC0]  }
0x1a5: {  	[tilespmem:s10+$0x60] =	vst v5;
	v6 =	vmul.f32 $1.131370830e+01, v4;
	v2 =	vld [tilespmem:s10+$0xD0]  }
0x1a6: {  	[tilespmem:s10+$0x70] =	vst v3;
	v5 =	vmul.f32 $1.131370830e+01, v7;
	v3 =	vld [tilespmem:s10+$0xE0]  }
0x1a7: {  	s10 =	sadd.s32 $0x200, s10;
	v4 =	vld [tilespmem:s1+$0xFFFFFF00];
	[tilespmem:s1+$0x80] =	vst v6;
	v6 =	vmul.f32 $1.131370830e+01, v8  }
0x1a8: {  	[tilespmem:s1+$0x90] =	vst v5;
	v0 =	vmul.f32 $1.131370830e+01, v0  }
0x1a9: {  	[tilespmem:s1+$0xA0] =	vst v6;
	v1 =	vmul.f32 $1.131370830e+01, v1  }
0x1aa: {  	[tilespmem:s1+$0xB0] =	vst v0;
	v61 =	vmul.f32 $1.131370830e+01, v2  }
0x1ab: {  	s0 =	sshll.u32 s0, $0xE;
	[tilespmem:s1+$0xC0] =	vst v1;
	v62 =	vmul.f32 $1.131370830e+01, v3  }
0x1ac: {  	s0 =	sadd.s32 s6, s0;
	v63 =	vmul.f32 $1.131370830e+01, v4;
	[tilespmem:s1+$0xD0] =	vst v61  }
0x1ad: {  	s0 =	sshrl.u32 s0, $0x3;
	[tilespmem:s1+$0xE0] =	vst v62  }
.Ltmp7:
0x1ae: {  	s0 =	sadd.s32 s3, s0;
	[tilespmem:s1+$0xFFFFFF00] =	vst v63;
	(pc) =	sbr.rel @p0 .LBB2_14-.Ltmp7, $4  }
0x1af: {  	[hbm4b:s0+s4] =	stream.linear.scatter [tilespmem:s20], [sflag:$0xA], $0x4000, $0x38;
	[tilespmem:$0x1A400] =	vst v63  }
0x1b0: {  	_ =	swait.ge [sflag:s26], $0x4000  }
0x1b1: {  	[sflag:s26] =	ssyncset.done $0x0  }
0x1b2: {  	[sflag:s26] =	ssyncadd.s32 $0xFFFFC000  }
0x1b3: {  	s0 =	smul.u32 $0xA00, s31  }
.Ltmp8:
0x1b4: {  	_ = 	snop;
	(pc) =	sbr.rel .LBB2_2-.Ltmp8, $4  }
0x1b5: {  	_ = 	snop  }
0x1b6: {  	s0 =	sshra.s32 s0, $0x2  }
0x1b7: {  	s31 =	sadd.s32 $0x1, s31;
	s0 =	sadd.s32 $0x380, s0  }
0x1b8: {  	[tilespmem:s16], [sflag:$0x3] =	stream.indirect.gather [hbm4b:s2+s12], $0x80, s0, s12, $0xb8;
	[tilespmem:$0x1A400] =	vst v63  }
.LBB2_15:
0x1b9: {  	_ =	sfence.sel $0x180000  }
0x1ba: {  	[bflag:$0x0] =	sbarrier.arrive $0xFFFF  }
0x1bb: {  	_ =	strace $0x90000047  }
0x1bc: {  	s0 =	stileid.u32;
	[bflag:$0x2] =	sbarrier.arrive $0xFFFF  }
0x1bd: {  	p0 =	sne.s32 s0, $0x0;
	s0 =	rddreg [dreg:$0x3]  }
0x1be: {  	s0 =	sadd.s32 @!p0 $0x100000, s0  }
0x1bf: {  	[sflag:s0] =	ssyncadd.tile.s32 @!p0 $0x1;
	_ =	shalt  }
.Lfunc_end2:
_tile_overlayer_lowered:
.L_overlay_start_2:
0x1c0: {  	(tag) =	ssettag $0x2  }
0x1c1: {  	s0 =	rddreg [dreg:$0x0];
	s2 =	stileid.u32  }
0x1c2: {  	s1 =	rddreg [dreg:$0x1];
	p0 =	sne.s32 s2, $0x0  }
0x1c3: {  	s3 =	rddreg [dreg:$0x2];
	[bflag:$0x3] =	sbarrier.arrive $0xFFFF;
	s2 =	simm.s32 @!p0 $0x1C0B  }
0x1c4: {  	[timem:s3], [sflag:s2] =	dma.local @!p0 [hbm:s0], s1  }
0x1c5: {  	s0 =	simm.s32 @!p0 $0xB  }
0x1c6: {  	_ =	swait.ge @!p0 [sflag:s0], s1  }
0x1c7: {  	s1 =	ssub.s32 @!p0 $0x0, s1;
	[sflag:s0] =	ssyncset.done @!p0 $0x0  }
0x1c8: {  	[sflag:s0] =	ssyncadd.s32 @!p0 s1  }
0x1c9: {  	[bflag:$0x3] =	sbarrier.arrive $0xFFFF  }
0x1ca: {  	_ =	shalt  }

</sc_bundles>
